<compile_context>
chip_gen: v7x
topology: tpu7x:2x2x1
jax: 0.10.2.dev20260603
libtpu: 0.0.44.dev20260713+nightly
codegen_flags: <defaults>
</compile_context>

<pallas_src>
import functools

import jax
import jax.numpy as jnp
from jax import lax
from jax.experimental import pallas as pl
from jax.experimental.pallas import tpu as pltpu
from jax.experimental.pallas import tpu_sc as plsc

K_TOP = 50
NEG_MASK = -1e9
NEG_OUT = -1e10
SENT = -1e30


_BM1 = 256


def _k1_body(g_blk, gT, cw, ms_blk, msT, sc_ref, bi_ref, ant_ref):
    k = gT.shape[1]
    bm = g_blk.shape[0]
    pid = pl.program_id(0)
    c = jnp.dot(g_blk[...], cw[...], preferred_element_type=jnp.float32)
    ant = jnp.dot(c, gT[...], preferred_element_type=jnp.float32)
    ant = ant + ms_blk[...] + msT[...]
    rows = pid * bm + lax.broadcasted_iota(jnp.int32, (bm, k), 0)
    cols = lax.broadcasted_iota(jnp.int32, (bm, k), 1)
    ant_ref[...] = jnp.where(cols < rows, ant, NEG_MASK)
    lane64 = lax.broadcasted_iota(jnp.int32, (bm, 64), 1)

    def body(t, carry):
        bs, bi = carry
        a = ant_ref[...]
        m = jnp.max(a, axis=1, keepdims=True)
        idx = jnp.min(jnp.where(a == m, cols, k), axis=1, keepdims=True)
        ant_ref[...] = jnp.where(cols == idx, SENT, a)
        bs = jnp.where(lane64 == t, m, bs)
        bi = jnp.where(lane64 == t, idx, bi)
        return bs, bi

    bs0 = jnp.zeros((bm, 64), jnp.float32)
    bi0 = jnp.zeros((bm, 64), jnp.int32)
    bs, bi = lax.fori_loop(0, K_TOP, body, (bs0, bi0))
    rows64 = pid * bm + lax.broadcasted_iota(jnp.int32, (bm, 64), 0)
    valid = (lane64 < rows64) & (lane64 < K_TOP)
    sc_ref[...] = jnp.where(valid, bs, 0.0)
    bi_ref[...] = bi


def _coarse_topk(g, gT, cw, ms, msT):
    k, d = g.shape
    grid = k // _BM1
    return pl.pallas_call(
        _k1_body,
        grid=(grid,),
        in_specs=[
            pl.BlockSpec((_BM1, d), lambda i: (i, 0)),
            pl.BlockSpec((d, k), lambda i: (0, 0)),
            pl.BlockSpec((d, d), lambda i: (0, 0)),
            pl.BlockSpec((_BM1, 1), lambda i: (i, 0)),
            pl.BlockSpec((1, k), lambda i: (0, 0)),
        ],
        out_specs=[
            pl.BlockSpec((_BM1, 64), lambda i: (i, 0)),
            pl.BlockSpec((_BM1, 64), lambda i: (i, 0)),
        ],
        out_shape=[
            jax.ShapeDtypeStruct((k, 64), jnp.float32),
            jax.ShapeDtypeStruct((k, 64), jnp.int32),
        ],
        scratch_shapes=[pltpu.VMEM((_BM1, k), jnp.float32)],
    )(g, gT, cw, ms, msT)



def _sc_gather(table, flat_idx, start_pad=None):
    n = flat_idx.shape[0]
    d = table.shape[1]
    info = plsc.get_sparse_core_info()
    nc, ns = info.num_cores, info.num_subcores
    nw = nc * ns
    per_w = n // nw
    chunk = 200
    n_chunks = per_w // chunk
    mesh = plsc.VectorSubcoreMesh(core_axis_name="c", subcore_axis_name="s")
    with_start = start_pad is not None

    out_type = jax.ShapeDtypeStruct((n, d), jnp.float32)
    scratch = [
        pltpu.VMEM((chunk,), jnp.int32),
        pltpu.VMEM((chunk, d), jnp.float32),
        pltpu.SemaphoreType.DMA,
    ]
    if with_start:
        ds = start_pad.shape[1]
        out_type = [out_type, jax.ShapeDtypeStruct((n, ds), jnp.int32)]
        scratch += [pltpu.VMEM((chunk, ds), jnp.int32), pltpu.SemaphoreType.DMA]

    @functools.partial(pl.kernel, mesh=mesh, out_type=out_type, scratch_types=scratch)
    def gathered(*refs):
        if with_start:
            (tab_hbm, sp_hbm, idx_hbm, jg_hbm, sj_hbm,
             idx_v, rows_v, sem1, srows_v, sem2) = refs
        else:
            tab_hbm, idx_hbm, jg_hbm, idx_v, rows_v, sem1 = refs
        wid = lax.axis_index("s") * nc + lax.axis_index("c")
        base0 = wid * per_w

        def chunk_body(ci, _):
            base = base0 + ci * chunk
            pltpu.sync_copy(idx_hbm.at[pl.ds(base, chunk)], idx_v)
            cp1 = pltpu.async_copy(tab_hbm.at[idx_v], rows_v, sem1)
            if with_start:
                cp2 = pltpu.async_copy(sp_hbm.at[idx_v], srows_v, sem2)
            cp1.wait()
            pltpu.sync_copy(rows_v, jg_hbm.at[pl.ds(base, chunk)])
            if with_start:
                cp2.wait()
                pltpu.sync_copy(srows_v, sj_hbm.at[pl.ds(base, chunk)])
            return 0

        lax.fori_loop(0, n_chunks, chunk_body, 0)

    if with_start:
        return gathered(table, start_pad, flat_idx)
    return gathered(table, flat_idx)



_BM3 = 16


def _k3_body(g_blk, jg_blk, sj_blk, end_blk, w1, dtab, w1d, b1, w2, b2, bins_row, s_ref):
    npair = jg_blk.shape[0]
    pr = lax.broadcasted_iota(jnp.int32, (npair, 16), 0) // K_TOP
    c16 = lax.broadcasted_iota(jnp.int32, (npair, 16), 1)
    rep = (pr == c16).astype(jnp.float32)
    g_exp = jnp.dot(rep, g_blk[...], preferred_element_type=jnp.float32)
    jg = jg_blk[...]
    x = jnp.concatenate([g_exp, jg, g_exp * jg], axis=1).astype(jnp.bfloat16)
    acc = jnp.dot(x, w1[...], preferred_element_type=jnp.float32)
    endf = jnp.dot(rep, end_blk[...].astype(jnp.float32), preferred_element_type=jnp.float32)
    dist = endf - sj_blk[...][:, :1].astype(jnp.float32)
    binsv = jnp.sum((dist > bins_row[...]).astype(jnp.float32), axis=1, keepdims=True)
    oh = ((binsv == c16.astype(jnp.float32)) & (c16 < 12)).astype(jnp.float32)
    phiproj = jnp.dot(dtab[...], w1d[...], preferred_element_type=jnp.float32)
    acc = acc + jnp.dot(oh, phiproj, preferred_element_type=jnp.float32) + b1[...]
    h = jnp.where(acc >= 0, acc, 0.01 * acc)
    s_ref[...] = jnp.dot(h, w2[...], preferred_element_type=jnp.float32) + b2[...]


def _pair_mlp(g, jg, sj, end_col, w1_bf, dt_pad, w1d, b1r, w2c, b2r, bins_row):
    k, d = g.shape
    n = jg.shape[0]
    grid = k // _BM3
    bp = _BM3 * K_TOP
    h1 = w1_bf.shape[1]
    return pl.pallas_call(
        _k3_body,
        grid=(grid,),
        in_specs=[
            pl.BlockSpec((_BM3, d), lambda i: (i, 0)),
            pl.BlockSpec((bp, d), lambda i: (i, 0)),
            pl.BlockSpec((bp, sj.shape[1]), lambda i: (i, 0)),
            pl.BlockSpec((_BM3, 1), lambda i: (i, 0)),
            pl.BlockSpec((3 * d, h1), lambda i: (0, 0)),
            pl.BlockSpec((16, 20), lambda i: (0, 0)),
            pl.BlockSpec((20, h1), lambda i: (0, 0)),
            pl.BlockSpec((1, h1), lambda i: (0, 0)),
            pl.BlockSpec((h1, 1), lambda i: (0, 0)),
            pl.BlockSpec((1, 1), lambda i: (0, 0)),
            pl.BlockSpec((1, 16), lambda i: (0, 0)),
        ],
        out_specs=pl.BlockSpec((bp, 1), lambda i: (i, 0)),
        out_shape=jax.ShapeDtypeStruct((n, 1), jnp.float32),
    )(g, jg, sj, end_col, w1_bf, dt_pad, w1d, b1r, w2c, b2r, bins_row)



_BM4 = 32


def _k4_body(g_blk, jg3_blk, sa_blk, sc_blk, wf1, wf2, wfb, gout):
    bm = g_blk.shape[0]
    pid = pl.program_id(0)
    rows = pid * bm + lax.broadcasted_iota(jnp.int32, (bm, 64), 0)
    lane = lax.broadcasted_iota(jnp.int32, (bm, 64), 1)
    valid = (lane < rows) & (lane < K_TOP)
    coref = sa_blk[...] + sc_blk[...]
    logits = jnp.where(valid, coref, NEG_OUT)
    m = jnp.maximum(jnp.max(logits, axis=1, keepdims=True), 0.0)
    e = jnp.where(valid, jnp.exp(logits - m), 0.0)
    e0 = jnp.exp(-m)
    den = e0 + jnp.sum(e, axis=1, keepdims=True)
    p = e / den
    p0 = e0 / den
    p3 = jnp.reshape(p, (bm, 1, 64))[:, :, :K_TOP]
    an = lax.dot_general(
        p3, jg3_blk[...],
        dimension_numbers=(((2,), (1,)), ((0,), (0,))),
        preferred_element_type=jnp.float32,
    )
    g = g_blk[...]
    an = jnp.reshape(an, (bm, g.shape[1])) + p0 * g
    x = (jnp.dot(g, wf1[...], preferred_element_type=jnp.float32)
         + jnp.dot(an, wf2[...], preferred_element_type=jnp.float32) + wfb[...])
    f = 1.0 / (1.0 + jnp.exp(-x))
    gout[...] = f * g + (1.0 - f) * an


def _refine(g, jg3, sa64, sc64, wf1, wf2, wfb):
    k, d = g.shape
    grid = k // _BM4
    return pl.pallas_call(
        _k4_body,
        grid=(grid,),
        in_specs=[
            pl.BlockSpec((_BM4, d), lambda i: (i, 0)),
            pl.BlockSpec((_BM4, K_TOP, d), lambda i: (i, 0, 0)),
            pl.BlockSpec((_BM4, 64), lambda i: (i, 0)),
            pl.BlockSpec((_BM4, 64), lambda i: (i, 0)),
            pl.BlockSpec((d, d), lambda i: (0, 0)),
            pl.BlockSpec((d, d), lambda i: (0, 0)),
            pl.BlockSpec((1, d), lambda i: (0, 0)),
        ],
        out_specs=pl.BlockSpec((_BM4, d), lambda i: (i, 0)),
        out_shape=jax.ShapeDtypeStruct((k, d), jnp.float32),
    )(g, jg3, sa64, sc64, wf1, wf2, wfb)



def kernel(g_i, mention_scores, start_indices, end_indices, coarse_W, dist_tab,
           W1, b1, W2, b2, Wf_W, Wf_b):
    k, d = g_i.shape
    n = k * K_TOP
    h1 = W1.shape[1]

    gT = g_i.T
    ms = mention_scores
    msT = mention_scores.reshape(1, k)

    sc64, bi64 = _coarse_topk(g_i, gT, coarse_W, ms, msT)
    flat_idx = bi64[:, :K_TOP].reshape(n)
    start_pad = jnp.broadcast_to(start_indices[:, None], (k, 128)).astype(jnp.int32)
    end_col = end_indices.reshape(k, 1).astype(jnp.int32)

    w1_bf = W1[: 3 * d].astype(jnp.bfloat16)
    w1d = W1[3 * d:]
    dt_pad = jnp.pad(dist_tab, ((0, 16 - dist_tab.shape[0]), (0, 0)))
    b1r = b1.reshape(1, h1)
    w2c = W2.reshape(h1, 1)
    b2r = b2.reshape(1, 1)
    bins_row = jnp.concatenate(
        [jnp.array([1, 2, 3, 4, 8, 16, 32, 64, 128, 256, 384], jnp.float32),
         jnp.full((5,), 1e9, jnp.float32)]).reshape(1, 16)
    wf1 = Wf_W[:d]
    wf2 = Wf_W[d:]
    wfb = Wf_b.reshape(1, d)

    jg1, sj1 = _sc_gather(g_i, flat_idx, start_pad)
    sa1 = _pair_mlp(g_i, jg1, sj1, end_col, w1_bf, dt_pad, w1d, b1r, w2c, b2r, bins_row)
    sa1_64 = jnp.pad(sa1.reshape(k, K_TOP), ((0, 0), (0, 14)))
    g2 = _refine(g_i, jg1.reshape(k, K_TOP, d), sa1_64, sc64, wf1, wf2, wfb)

    jg2 = _sc_gather(g2, flat_idx)
    sa2 = _pair_mlp(g2, jg2, sj1, end_col, w1_bf, dt_pad, w1d, b1r, w2c, b2r, bins_row)

    coref = sa2.reshape(k, K_TOP) + sc64[:, :K_TOP]
    pos_mask = jnp.arange(K_TOP)[None, :] < jnp.arange(k)[:, None]
    scores = jnp.concatenate(
        [jnp.zeros((k, 1), jnp.float32), jnp.where(pos_mask, coref, NEG_OUT)], axis=1)
    return scores

# --- scband reference (transcript-rebuilt; emitter-appended) ---
"""Pipeline reference for scband-higher-order-score-61718680043994 (READ-ONLY COPY).

The authoritative reference and input builder live on the scoring server;
editing this copy changes nothing except your own understanding.
"""

import jax, jax.numpy as jnp
import numpy as np

BINS = jnp.array([1, 2, 3, 4, 8, 16, 32, 64, 128, 256, 384], dtype=jnp.int32)

def _stoi(lengths):
    # bin a (possibly negative) distance into one of len(BINS)+1 buckets
    return jnp.sum(lengths[..., None] > BINS, axis=-1)

def setup_inputs(seed: int = 0) -> dict:
    key = jax.random.key(seed)
    ks = jax.random.split(key, 12)
    k_m = 2048
    d = 256
    dd = 20
    gij = 3 * d + dd  # 788
    g_i = jax.random.normal(ks[0], (k_m, d), dtype=jnp.float32)
    mention_scores = jax.random.normal(ks[1], (k_m, 1), dtype=jnp.float32)
    start_indices = jnp.sort(jax.random.randint(ks[2], (k_m,), 0, 10000, dtype=jnp.int32))
    end_indices = start_indices + jax.random.randint(ks[3], (k_m,), 1, 16, dtype=jnp.int32)
    coarse_W = jax.random.normal(ks[4], (d, d), dtype=jnp.float32) * 0.02
    dist_tab = jax.random.normal(ks[5], (len(BINS) + 1, dd), dtype=jnp.float32) * 0.02
    W1 = jax.random.normal(ks[6], (gij, 1000), dtype=jnp.float32) * 0.02
    b1 = jnp.zeros((1000,), dtype=jnp.float32)
    W2 = jax.random.normal(ks[7], (1000, 1), dtype=jnp.float32) * 0.02
    b2 = jnp.zeros((1,), dtype=jnp.float32)
    Wf_W = jax.random.normal(ks[8], (2 * d, d), dtype=jnp.float32) * 0.02
    Wf_b = jnp.zeros((d,), dtype=jnp.float32)
    return {"g_i": g_i, "mention_scores": mention_scores, "start_indices": start_indices, "end_indices": end_indices, "coarse_W": coarse_W, "dist_tab": dist_tab, "W1": W1, "b1": b1, "W2": W2, "b2": b2, "Wf_W": Wf_W, "Wf_b": Wf_b}

def reference(g_i, mention_scores, start_indices, end_indices, coarse_W, dist_tab, W1, b1, W2, b2, Wf_W, Wf_b):
    K = 50
    N = 2
    k = g_i.shape[0]
    d = g_i.shape[1]
    ar = jnp.arange(k)
    # antecedent mask: j is a valid antecedent of i iff i - j >= 1
    mask = (ar[:, None] - ar[None, :]) >= 1
    # coarse bilinear scores (dropout is eval-mode identity)
    ant = (g_i @ coarse_W) @ g_i.T
    ant = ant + mention_scores + mention_scores.T
    ant = jnp.where(mask, ant, -1e9)  # log(mask.float()) equivalent, numerically safe
    best_scores, best_idx = jax.lax.top_k(ant, K)  # [k, K]
    # row i keeps only its first min(i, K) antecedents (j < i guaranteed by mask+topk sort)
    pos_mask = jnp.arange(K)[None, :] < ar[:, None]
    s_ij_c = jnp.where(pos_mask, best_scores, 0.0)
    # phi: distance embedding for (i.i2 - j.i1)
    dist = end_indices[:, None] - start_indices[best_idx]  # [k, K]
    phi = dist_tab[_stoi(dist)]  # [k, K, dd]
    g = g_i
    coref = None
    for step in range(N):
        i_g = jnp.broadcast_to(g[:, None, :], (k, K, d))
        j_g = g[best_idx]  # [k, K, d]
        pairs = jnp.concatenate([i_g, j_g, i_g * j_g, phi], axis=-1)  # [k, K, gij]
        h = jax.nn.leaky_relu(pairs @ W1 + b1)
        s_ij_a = (h @ W2 + b2)[..., 0]  # [k, K]
        coref = s_ij_a + s_ij_c
        if step == N - 1:
            break
        # higher-order refinement: softmax over [epsilon, antecedents]
        logits = jnp.concatenate([jnp.zeros((k, 1), dtype=jnp.float32), jnp.where(pos_mask, coref, -1e10)], axis=1)
        p = jax.nn.softmax(logits, axis=1)  # [k, K+1]
        cand = jnp.concatenate([g[:, None, :], j_g], axis=1)  # [k, K+1, d]
        a_n = jnp.sum(cand * p[..., None], axis=1)  # [k, d]
        f_n = jax.nn.sigmoid(jnp.concatenate([g, a_n], axis=-1) @ Wf_W + Wf_b)
        g = f_n * g + (1.0 - f_n) * a_n
    scores = jnp.concatenate([jnp.zeros((k, 1), dtype=jnp.float32), jnp.where(pos_mask, coref, -1e10)], axis=1)
    return scores

if __name__ == "__main__":
    import jax
    _d = setup_inputs()
    print(jax.jit(kernel)(*tuple(_d.values())))

</pallas_src>

<mosaic_0001>
#map = affine_map<(d0, d1) -> (0, 0)>
#map1 = affine_map<(d0, d1) -> (0)>
module attributes {stable_mosaic.version = 14 : i64} {
  func.func @gathered(%arg0: i32, %arg1: i32, %arg2: memref<2048x256xf32, #tpu.memory_space<hbm>>, %arg3: memref<2048x128xi32, #tpu.memory_space<hbm>>, %arg4: memref<102400xi32, #tpu.memory_space<hbm>>, %arg5: memref<102400x256xf32, #tpu.memory_space<hbm>>, %arg6: memref<102400x128xi32, #tpu.memory_space<hbm>>, %arg7: memref<200xi32, #tpu.memory_space<vmem>>, %arg8: memref<200x256xf32, #tpu.memory_space<vmem>>, %arg9: memref<!tpu.dma_semaphore, #tpu.memory_space<semaphore_mem>>, %arg10: memref<200x128xi32, #tpu.memory_space<vmem>>, %arg11: memref<!tpu.dma_semaphore, #tpu.memory_space<semaphore_mem>>) attributes {dimension_semantics = [#tpu.dimension_semantics<core_parallel>, #tpu.dimension_semantics<subcore_parallel>], iteration_bounds = array<i64: 2, 16>, scalar_prefetch = 0 : i64, scratch_operands = 5 : i64, tpu.core_type = #tpu.core_type<sc_vector_subcore>, window_params = [{transform_indices = #map}, {transform_indices = #map}, {transform_indices = #map1}, {transform_indices = #map}, {transform_indices = #map}]} {
    %mul3A = arith.constant 2 : i32
    %mul3A_0 = arith.muli %arg1, %mul3A : i32
    %add3A = arith.addi %mul3A_0, %arg0 : i32
    %mul3A_1 = arith.constant 3200 : i32
    %mul3A_2 = arith.muli %add3A, %mul3A_1 : i32
    %scan3A = arith.constant 0 : i32
    %scan3A_3 = arith.constant 0 : i32
    %scan3A_4 = arith.constant 16 : i32
    %scan3A_5 = arith.addi %scan3A_3, %scan3A_4 : i32
    %scan3A_6 = arith.constant 1 : i32
    %scan3A_7 = scf.for %scan3A_9 = %scan3A_3 to %scan3A_5 step %scan3A_6 iter_args(%scan3A_10 = %scan3A) -> (i32)  : i32 {
      %mul3A_11 = arith.constant 200 : i32
      %mul3A_12 = arith.muli %scan3A_9, %mul3A_11 : i32
      %add3A_13 = arith.addi %mul3A_2, %mul3A_12 : i32
      "tpu.region"() ({
        %run_scoped3A = tpu.sem_alloc : memref<!tpu.dma_semaphore, #tpu.memory_space<semaphore_mem>>
        %dma_start3A_25 = tpu.memref_slice %arg4[%add3A_13] : memref<102400xi32, #tpu.memory_space<hbm>> -> memref<200xi32, #tpu.memory_space<hbm>>
        %dma_start3A_26 = tpu.memref_slice %arg4[%add3A_13] : memref<102400xi32, #tpu.memory_space<hbm>> -> memref<200xi32, #tpu.memory_space<hbm>>
        tpu.enqueue_dma source(%dma_start3A_26 : memref<200xi32, #tpu.memory_space<hbm>>) target(%arg7 : memref<200xi32, #tpu.memory_space<vmem>>) target_semaphore(%run_scoped3A : memref<!tpu.dma_semaphore, #tpu.memory_space<semaphore_mem>>)
        %dma_wait3A_27 = tpu.memref_slice %arg4[%add3A_13] : memref<102400xi32, #tpu.memory_space<hbm>> -> memref<200xi32, #tpu.memory_space<hbm>>
        %dma_wait3A_28 = tpu.memref_slice %arg4[%add3A_13] : memref<102400xi32, #tpu.memory_space<hbm>> -> memref<200xi32, #tpu.memory_space<hbm>>
        tpu.wait_dma2 semaphore(%run_scoped3A : memref<!tpu.dma_semaphore, #tpu.memory_space<semaphore_mem>>) src(%dma_wait3A_28 : memref<200xi32, #tpu.memory_space<hbm>>) dst(%arg7 : memref<200xi32, #tpu.memory_space<vmem>>)
        tpu.yield
      }) : () -> ()
      %dma_start3A = arith.constant 0 : i32
      %dma_start3A_14 = arith.constant 0 : i32
      %dma_start3A_15 = tpu.memref_slice %arg2[%dma_start3A, %dma_start3A_14] : memref<2048x256xf32, #tpu.memory_space<hbm>> -> memref<2048x256xf32, #tpu.memory_space<hbm>>
      tpu.enqueue_indirect_dma source(%dma_start3A_15 : memref<2048x256xf32, #tpu.memory_space<hbm>>) target(%arg8 : memref<200x256xf32, #tpu.memory_space<vmem>>) offsets(%arg7 : memref<200xi32, #tpu.memory_space<vmem>>) semaphore(%arg9 : memref<!tpu.dma_semaphore, #tpu.memory_space<semaphore_mem>>)
      %dma_start3A_16 = arith.constant 0 : i32
      %dma_start3A_17 = arith.constant 0 : i32
      %dma_start3A_18 = tpu.memref_slice %arg3[%dma_start3A_16, %dma_start3A_17] : memref<2048x128xi32, #tpu.memory_space<hbm>> -> memref<2048x128xi32, #tpu.memory_space<hbm>>
      tpu.enqueue_indirect_dma source(%dma_start3A_18 : memref<2048x128xi32, #tpu.memory_space<hbm>>) target(%arg10 : memref<200x128xi32, #tpu.memory_space<vmem>>) offsets(%arg7 : memref<200xi32, #tpu.memory_space<vmem>>) semaphore(%arg11 : memref<!tpu.dma_semaphore, #tpu.memory_space<semaphore_mem>>)
      %dma_wait3A = arith.constant 0 : i32
      %dma_wait3A_19 = arith.constant 0 : i32
      %dma_wait3A_20 = tpu.memref_slice %arg2[%dma_wait3A, %dma_wait3A_19] : memref<2048x256xf32, #tpu.memory_space<hbm>> -> memref<2048x256xf32, #tpu.memory_space<hbm>>
      tpu.wait_indirect_dma semaphore(%arg9 : memref<!tpu.dma_semaphore, #tpu.memory_space<semaphore_mem>>) src(%dma_wait3A_20 : memref<2048x256xf32, #tpu.memory_space<hbm>>) dst(%arg8 : memref<200x256xf32, #tpu.memory_space<vmem>>)
      "tpu.region"() ({
        %run_scoped3A = tpu.sem_alloc : memref<!tpu.dma_semaphore, #tpu.memory_space<semaphore_mem>>
        %dma_start3A_25 = arith.constant 0 : i32
        %dma_start3A_26 = tpu.memref_slice %arg5[%add3A_13, %dma_start3A_25] : memref<102400x256xf32, #tpu.memory_space<hbm>> -> memref<200x256xf32, #tpu.memory_space<hbm>>
        %dma_start3A_27 = arith.constant 0 : i32
        %dma_start3A_28 = tpu.memref_slice %arg5[%add3A_13, %dma_start3A_27] : memref<102400x256xf32, #tpu.memory_space<hbm>> -> memref<200x256xf32, #tpu.memory_space<hbm>>
        tpu.enqueue_dma source(%arg8 : memref<200x256xf32, #tpu.memory_space<vmem>>) target(%dma_start3A_28 : memref<200x256xf32, #tpu.memory_space<hbm>>) target_semaphore(%run_scoped3A : memref<!tpu.dma_semaphore, #tpu.memory_space<semaphore_mem>>)
        %dma_wait3A_29 = arith.constant 0 : i32
        %dma_wait3A_30 = tpu.memref_slice %arg5[%add3A_13, %dma_wait3A_29] : memref<102400x256xf32, #tpu.memory_space<hbm>> -> memref<200x256xf32, #tpu.memory_space<hbm>>
        %dma_wait3A_31 = arith.constant 0 : i32
        %dma_wait3A_32 = tpu.memref_slice %arg5[%add3A_13, %dma_wait3A_31] : memref<102400x256xf32, #tpu.memory_space<hbm>> -> memref<200x256xf32, #tpu.memory_space<hbm>>
        tpu.wait_dma2 semaphore(%run_scoped3A : memref<!tpu.dma_semaphore, #tpu.memory_space<semaphore_mem>>) src(%arg8 : memref<200x256xf32, #tpu.memory_space<vmem>>) dst(%dma_wait3A_32 : memref<200x256xf32, #tpu.memory_space<hbm>>)
        tpu.yield
      }) : () -> ()
      %dma_wait3A_21 = arith.constant 0 : i32
      %dma_wait3A_22 = arith.constant 0 : i32
      %dma_wait3A_23 = tpu.memref_slice %arg3[%dma_wait3A_21, %dma_wait3A_22] : memref<2048x128xi32, #tpu.memory_space<hbm>> -> memref<2048x128xi32, #tpu.memory_space<hbm>>
      tpu.wait_indirect_dma semaphore(%arg11 : memref<!tpu.dma_semaphore, #tpu.memory_space<semaphore_mem>>) src(%dma_wait3A_23 : memref<2048x128xi32, #tpu.memory_space<hbm>>) dst(%arg10 : memref<200x128xi32, #tpu.memory_space<vmem>>)
      "tpu.region"() ({
        %run_scoped3A = tpu.sem_alloc : memref<!tpu.dma_semaphore, #tpu.memory_space<semaphore_mem>>
        %dma_start3A_25 = arith.constant 0 : i32
        %dma_start3A_26 = tpu.memref_slice %arg6[%add3A_13, %dma_start3A_25] : memref<102400x128xi32, #tpu.memory_space<hbm>> -> memref<200x128xi32, #tpu.memory_space<hbm>>
        %dma_start3A_27 = arith.constant 0 : i32
        %dma_start3A_28 = tpu.memref_slice %arg6[%add3A_13, %dma_start3A_27] : memref<102400x128xi32, #tpu.memory_space<hbm>> -> memref<200x128xi32, #tpu.memory_space<hbm>>
        tpu.enqueue_dma source(%arg10 : memref<200x128xi32, #tpu.memory_space<vmem>>) target(%dma_start3A_28 : memref<200x128xi32, #tpu.memory_space<hbm>>) target_semaphore(%run_scoped3A : memref<!tpu.dma_semaphore, #tpu.memory_space<semaphore_mem>>)
        %dma_wait3A_29 = arith.constant 0 : i32
        %dma_wait3A_30 = tpu.memref_slice %arg6[%add3A_13, %dma_wait3A_29] : memref<102400x128xi32, #tpu.memory_space<hbm>> -> memref<200x128xi32, #tpu.memory_space<hbm>>
        %dma_wait3A_31 = arith.constant 0 : i32
        %dma_wait3A_32 = tpu.memref_slice %arg6[%add3A_13, %dma_wait3A_31] : memref<102400x128xi32, #tpu.memory_space<hbm>> -> memref<200x128xi32, #tpu.memory_space<hbm>>
        tpu.wait_dma2 semaphore(%run_scoped3A : memref<!tpu.dma_semaphore, #tpu.memory_space<semaphore_mem>>) src(%arg10 : memref<200x128xi32, #tpu.memory_space<vmem>>) dst(%dma_wait3A_32 : memref<200x128xi32, #tpu.memory_space<hbm>>)
        tpu.yield
      }) : () -> ()
      %scan3A_24 = arith.constant 0 : i32
      scf.yield %scan3A_24 : i32
    }
    %scan3A_8 = arith.constant 16 : i32
    return
  }
}

#map = affine_map<(d0, d1) -> (0, 0)>
#map1 = affine_map<(d0, d1) -> (0)>
module attributes {stable_mosaic.version = 14 : i64} {
  func.func @gathered(%arg0: i32, %arg1: i32, %arg2: memref<2048x256xf32, #tpu.memory_space<hbm>>, %arg3: memref<102400xi32, #tpu.memory_space<hbm>>, %arg4: memref<102400x256xf32, #tpu.memory_space<hbm>>, %arg5: memref<200xi32, #tpu.memory_space<vmem>>, %arg6: memref<200x256xf32, #tpu.memory_space<vmem>>, %arg7: memref<!tpu.dma_semaphore, #tpu.memory_space<semaphore_mem>>) attributes {dimension_semantics = [#tpu.dimension_semantics<core_parallel>, #tpu.dimension_semantics<subcore_parallel>], iteration_bounds = array<i64: 2, 16>, scalar_prefetch = 0 : i64, scratch_operands = 3 : i64, tpu.core_type = #tpu.core_type<sc_vector_subcore>, window_params = [{transform_indices = #map}, {transform_indices = #map1}, {transform_indices = #map}]} {
    %mul3A = arith.constant 2 : i32
    %mul3A_0 = arith.muli %arg1, %mul3A : i32
    %add3A = arith.addi %mul3A_0, %arg0 : i32
    %mul3A_1 = arith.constant 3200 : i32
    %mul3A_2 = arith.muli %add3A, %mul3A_1 : i32
    %scan3A = arith.constant 0 : i32
    %scan3A_3 = arith.constant 0 : i32
    %scan3A_4 = arith.constant 16 : i32
    %scan3A_5 = arith.addi %scan3A_3, %scan3A_4 : i32
    %scan3A_6 = arith.constant 1 : i32
    %scan3A_7 = scf.for %scan3A_9 = %scan3A_3 to %scan3A_5 step %scan3A_6 iter_args(%scan3A_10 = %scan3A) -> (i32)  : i32 {
      %mul3A_11 = arith.constant 200 : i32
      %mul3A_12 = arith.muli %scan3A_9, %mul3A_11 : i32
      %add3A_13 = arith.addi %mul3A_2, %mul3A_12 : i32
      "tpu.region"() ({
        %run_scoped3A = tpu.sem_alloc : memref<!tpu.dma_semaphore, #tpu.memory_space<semaphore_mem>>
        %dma_start3A_19 = tpu.memref_slice %arg3[%add3A_13] : memref<102400xi32, #tpu.memory_space<hbm>> -> memref<200xi32, #tpu.memory_space<hbm>>
        %dma_start3A_20 = tpu.memref_slice %arg3[%add3A_13] : memref<102400xi32, #tpu.memory_space<hbm>> -> memref<200xi32, #tpu.memory_space<hbm>>
        tpu.enqueue_dma source(%dma_start3A_20 : memref<200xi32, #tpu.memory_space<hbm>>) target(%arg5 : memref<200xi32, #tpu.memory_space<vmem>>) target_semaphore(%run_scoped3A : memref<!tpu.dma_semaphore, #tpu.memory_space<semaphore_mem>>)
        %dma_wait3A_21 = tpu.memref_slice %arg3[%add3A_13] : memref<102400xi32, #tpu.memory_space<hbm>> -> memref<200xi32, #tpu.memory_space<hbm>>
        %dma_wait3A_22 = tpu.memref_slice %arg3[%add3A_13] : memref<102400xi32, #tpu.memory_space<hbm>> -> memref<200xi32, #tpu.memory_space<hbm>>
        tpu.wait_dma2 semaphore(%run_scoped3A : memref<!tpu.dma_semaphore, #tpu.memory_space<semaphore_mem>>) src(%dma_wait3A_22 : memref<200xi32, #tpu.memory_space<hbm>>) dst(%arg5 : memref<200xi32, #tpu.memory_space<vmem>>)
        tpu.yield
      }) : () -> ()
      %dma_start3A = arith.constant 0 : i32
      %dma_start3A_14 = arith.constant 0 : i32
      %dma_start3A_15 = tpu.memref_slice %arg2[%dma_start3A, %dma_start3A_14] : memref<2048x256xf32, #tpu.memory_space<hbm>> -> memref<2048x256xf32, #tpu.memory_space<hbm>>
      tpu.enqueue_indirect_dma source(%dma_start3A_15 : memref<2048x256xf32, #tpu.memory_space<hbm>>) target(%arg6 : memref<200x256xf32, #tpu.memory_space<vmem>>) offsets(%arg5 : memref<200xi32, #tpu.memory_space<vmem>>) semaphore(%arg7 : memref<!tpu.dma_semaphore, #tpu.memory_space<semaphore_mem>>)
      %dma_wait3A = arith.constant 0 : i32
      %dma_wait3A_16 = arith.constant 0 : i32
      %dma_wait3A_17 = tpu.memref_slice %arg2[%dma_wait3A, %dma_wait3A_16] : memref<2048x256xf32, #tpu.memory_space<hbm>> -> memref<2048x256xf32, #tpu.memory_space<hbm>>
      tpu.wait_indirect_dma semaphore(%arg7 : memref<!tpu.dma_semaphore, #tpu.memory_space<semaphore_mem>>) src(%dma_wait3A_17 : memref<2048x256xf32, #tpu.memory_space<hbm>>) dst(%arg6 : memref<200x256xf32, #tpu.memory_space<vmem>>)
      "tpu.region"() ({
        %run_scoped3A = tpu.sem_alloc : memref<!tpu.dma_semaphore, #tpu.memory_space<semaphore_mem>>
        %dma_start3A_19 = arith.constant 0 : i32
        %dma_start3A_20 = tpu.memref_slice %arg4[%add3A_13, %dma_start3A_19] : memref<102400x256xf32, #tpu.memory_space<hbm>> -> memref<200x256xf32, #tpu.memory_space<hbm>>
        %dma_start3A_21 = arith.constant 0 : i32
        %dma_start3A_22 = tpu.memref_slice %arg4[%add3A_13, %dma_start3A_21] : memref<102400x256xf32, #tpu.memory_space<hbm>> -> memref<200x256xf32, #tpu.memory_space<hbm>>
        tpu.enqueue_dma source(%arg6 : memref<200x256xf32, #tpu.memory_space<vmem>>) target(%dma_start3A_22 : memref<200x256xf32, #tpu.memory_space<hbm>>) target_semaphore(%run_scoped3A : memref<!tpu.dma_semaphore, #tpu.memory_space<semaphore_mem>>)
        %dma_wait3A_23 = arith.constant 0 : i32
        %dma_wait3A_24 = tpu.memref_slice %arg4[%add3A_13, %dma_wait3A_23] : memref<102400x256xf32, #tpu.memory_space<hbm>> -> memref<200x256xf32, #tpu.memory_space<hbm>>
        %dma_wait3A_25 = arith.constant 0 : i32
        %dma_wait3A_26 = tpu.memref_slice %arg4[%add3A_13, %dma_wait3A_25] : memref<102400x256xf32, #tpu.memory_space<hbm>> -> memref<200x256xf32, #tpu.memory_space<hbm>>
        tpu.wait_dma2 semaphore(%run_scoped3A : memref<!tpu.dma_semaphore, #tpu.memory_space<semaphore_mem>>) src(%arg6 : memref<200x256xf32, #tpu.memory_space<vmem>>) dst(%dma_wait3A_26 : memref<200x256xf32, #tpu.memory_space<hbm>>)
        tpu.yield
      }) : () -> ()
      %scan3A_18 = arith.constant 0 : i32
      scf.yield %scan3A_18 : i32
    }
    %scan3A_8 = arith.constant 16 : i32
    return
  }
}

module attributes {stable_mosaic.version = 14 : i64} {
  func.func @_k1_body(%arg0: i32, %arg1: memref<256x256xf32, #tpu.memory_space<vmem>>, %arg2: memref<256x2048xf32, #tpu.memory_space<vmem>>, %arg3: memref<256x256xf32, #tpu.memory_space<vmem>>, %arg4: memref<256x1xf32, #tpu.memory_space<vmem>>, %arg5: memref<1x2048xf32, #tpu.memory_space<vmem>>, %arg6: memref<256x64xf32, #tpu.memory_space<vmem>>, %arg7: memref<256x64xi32, #tpu.memory_space<vmem>>, %arg8: memref<256x2048xf32, #tpu.memory_space<vmem>>) attributes {dimension_semantics = [#tpu.dimension_semantics<arbitrary>], iteration_bounds = array<i64: 8>, scalar_prefetch = 0 : i64, scratch_operands = 1 : i64, tpu.core_type = #tpu.core_type<tc>, window_params = [{transform_indices = @transform_0, window_bounds = array<i64: 256, 256>}, {pipeline_mode = #tpu.pipeline_mode<synchronous>, transform_indices = @transform_1, window_bounds = array<i64: 256, 2048>}, {pipeline_mode = #tpu.pipeline_mode<synchronous>, transform_indices = @transform_2, window_bounds = array<i64: 256, 256>}, {transform_indices = @transform_3, window_bounds = array<i64: 256, 1>}, {pipeline_mode = #tpu.pipeline_mode<synchronous>, transform_indices = @transform_4, window_bounds = array<i64: 1, 2048>}, {transform_indices = @transform_5, window_bounds = array<i64: 256, 64>}, {transform_indices = @transform_6, window_bounds = array<i64: 256, 64>}]} {
    %get3A = arith.constant 0 : index
    %get3A_0 = arith.constant 0 : index
    %get3A_1 = vector.load %arg1[%get3A, %get3A_0] : memref<256x256xf32, #tpu.memory_space<vmem>>, vector<256x256xf32>
    %get3A_2 = arith.constant 0 : index
    %get3A_3 = arith.constant 0 : index
    %get3A_4 = vector.load %arg3[%get3A_2, %get3A_3] : memref<256x256xf32, #tpu.memory_space<vmem>>, vector<256x256xf32>
    %dot_general3A = arith.constant dense<0.000000e+00> : vector<256x256xf32>
    %dot_general3A_5 = tpu.matmul %get3A_1, %get3A_4, %dot_general3A {dimension_numbers = #tpu.dot_dimension_numbers<[1], [0], [0], [1], [0, 0, 1, 1], [], []>, transpose_lhs_hint = false} : vector<256x256xf32>, vector<256x256xf32>, vector<256x256xf32> -> vector<256x256xf32>
    %get3A_6 = arith.constant 0 : index
    %get3A_7 = arith.constant 0 : index
    %get3A_8 = vector.load %arg2[%get3A_6, %get3A_7] : memref<256x2048xf32, #tpu.memory_space<vmem>>, vector<256x2048xf32>
    %dot_general3A_9 = arith.constant dense<0.000000e+00> : vector<256x2048xf32>
    %dot_general3A_10 = tpu.matmul %dot_general3A_5, %get3A_8, %dot_general3A_9 {dimension_numbers = #tpu.dot_dimension_numbers<[1], [0], [0], [1], [0, 0, 1, 1], [], []>, transpose_lhs_hint = false} : vector<256x256xf32>, vector<256x2048xf32>, vector<256x2048xf32> -> vector<256x2048xf32>
    %get3A_11 = arith.constant 0 : index
    %get3A_12 = arith.constant 0 : index
    %get3A_13 = vector.load %arg4[%get3A_11, %get3A_12] : memref<256x1xf32, #tpu.memory_space<vmem>>, vector<256x1xf32>
    %add3A = vector.broadcast %get3A_13 : vector<256x1xf32> to vector<256x2048xf32>
    %add3A_14 = arith.addf %dot_general3A_10, %add3A : vector<256x2048xf32>
    %get3A_15 = arith.constant 0 : index
    %get3A_16 = arith.constant 0 : index
    %get3A_17 = vector.load %arg5[%get3A_15, %get3A_16] : memref<1x2048xf32, #tpu.memory_space<vmem>>, vector<1x2048xf32>
    %add3A_18 = vector.broadcast %get3A_17 : vector<1x2048xf32> to vector<256x2048xf32>
    %add3A_19 = arith.addf %add3A_14, %add3A_18 : vector<256x2048xf32>
    %mul3A = arith.constant 256 : i32
    %mul3A_20 = arith.muli %arg0, %mul3A : i32
    %iota3A = tpu.iota {dimensions = array<i32: 0>} : vector<256x2048xi32>
    %add3A_21 = vector.broadcast %mul3A_20 : i32 to vector<256x2048xi32>
    %add3A_22 = arith.addi %add3A_21, %iota3A : vector<256x2048xi32>
    %iota3A_23 = tpu.iota {dimensions = array<i32: 1>} : vector<256x2048xi32>
    %lt3A = arith.cmpi slt, %iota3A_23, %add3A_22 : vector<256x2048xi32>
    %jit3A = arith.constant -1.000000e+09 : f32
    %broadcast_in_dim3A = vector.broadcast %jit3A : f32 to vector<256x2048xf32>
    %select_n3A = arith.select %lt3A, %add3A_19, %broadcast_in_dim3A : vector<256x2048xi1>, vector<256x2048xf32>
    %swap3A = arith.constant 0 : index
    %swap3A_24 = arith.constant 0 : index
    %swap3A_25 = vector.load %arg8[%swap3A, %swap3A_24] : memref<256x2048xf32, #tpu.memory_space<vmem>>, vector<256x2048xf32>
    tpu.vector_store %arg8[%swap3A, %swap3A_24], %select_n3A {strides = array<i32>} : memref<256x2048xf32, #tpu.memory_space<vmem>>, vector<256x2048xf32>,
    %iota3A_26 = tpu.iota {dimensions = array<i32: 1>} : vector<256x64xi32>
    %broadcast_in_dim3A_27 = arith.constant 0.000000e+00 : f32
    %broadcast_in_dim3A_28 = vector.broadcast %broadcast_in_dim3A_27 : f32 to vector<256x64xf32>
    %broadcast_in_dim3A_29 = arith.constant 0 : i32
    %broadcast_in_dim3A_30 = vector.broadcast %broadcast_in_dim3A_29 : i32 to vector<256x64xi32>
    %scan3A = arith.constant 0 : i32
    %scan3A_31 = arith.constant 50 : i32
    %scan3A_32 = arith.addi %scan3A, %scan3A_31 : i32
    %scan3A_33 = arith.constant 1 : i32
    %scan3A_34:2 = scf.for %scan3A_54 = %scan3A to %scan3A_32 step %scan3A_33 iter_args(%scan3A_55 = %broadcast_in_dim3A_28, %scan3A_56 = %broadcast_in_dim3A_30) -> (vector<256x64xf32>, vector<256x64xi32>)  : i32 {
      %get3A_57 = arith.constant 0 : index
      %get3A_58 = arith.constant 0 : index
      %get3A_59 = vector.load %arg8[%get3A_57, %get3A_58] : memref<256x2048xf32, #tpu.memory_space<vmem>>, vector<256x2048xf32>
      %reduce_max3A = arith.constant dense<0xFF800000> : vector<256xf32>
      %reduce_max3A_60 = vector.multi_reduction <maximumf>, %get3A_59, %reduce_max3A [1] : vector<256x2048xf32> to vector<256xf32>
      %broadcast_in_dim3A_61 = vector.shape_cast %reduce_max3A_60 : vector<256xf32> to vector<256x1xf32>
      %eq3A = vector.broadcast %broadcast_in_dim3A_61 : vector<256x1xf32> to vector<256x2048xf32>
      %eq3A_62 = arith.cmpf oeq, %get3A_59, %eq3A : vector<256x2048xf32>
      %jit3A_63 = arith.constant 2048 : i32
      %broadcast_in_dim3A_64 = vector.broadcast %jit3A_63 : i32 to vector<256x2048xi32>
      %select_n3A_65 = arith.select %eq3A_62, %iota3A_23, %broadcast_in_dim3A_64 : vector<256x2048xi1>, vector<256x2048xi32>
      %reduce_min3A = arith.constant dense<2147483647> : vector<256xi32>
      %reduce_min3A_66 = vector.multi_reduction <minsi>, %select_n3A_65, %reduce_min3A [1] : vector<256x2048xi32> to vector<256xi32>
      %broadcast_in_dim3A_67 = vector.shape_cast %reduce_min3A_66 : vector<256xi32> to vector<256x1xi32>
      %eq3A_68 = vector.broadcast %broadcast_in_dim3A_67 : vector<256x1xi32> to vector<256x2048xi32>
      %eq3A_69 = arith.cmpi eq, %iota3A_23, %eq3A_68 : vector<256x2048xi32>
      %jit3A_70 = arith.constant -1.000000e+30 : f32
      %broadcast_in_dim3A_71 = vector.broadcast %jit3A_70 : f32 to vector<256x2048xf32>
      %select_n3A_72 = arith.select %eq3A_69, %broadcast_in_dim3A_71, %get3A_59 : vector<256x2048xi1>, vector<256x2048xf32>
      %swap3A_73 = arith.constant 0 : index
      %swap3A_74 = arith.constant 0 : index
      %swap3A_75 = vector.load %arg8[%swap3A_73, %swap3A_74] : memref<256x2048xf32, #tpu.memory_space<vmem>>, vector<256x2048xf32>
      tpu.vector_store %arg8[%swap3A_73, %swap3A_74], %select_n3A_72 {strides = array<i32>} : memref<256x2048xf32, #tpu.memory_space<vmem>>, vector<256x2048xf32>,
      %eq3A_76 = vector.broadcast %scan3A_54 : i32 to vector<256x64xi32>
      %eq3A_77 = arith.cmpi eq, %iota3A_26, %eq3A_76 : vector<256x64xi32>
      %broadcast_in_dim3A_78 = vector.shape_cast %broadcast_in_dim3A_61 : vector<256x1xf32> to vector<256x1xf32>
      %broadcast_in_dim3A_79 = vector.broadcast %broadcast_in_dim3A_78 : vector<256x1xf32> to vector<256x64xf32>
      %select_n3A_80 = arith.select %eq3A_77, %broadcast_in_dim3A_79, %scan3A_55 : vector<256x64xi1>, vector<256x64xf32>
      %eq3A_81 = vector.broadcast %scan3A_54 : i32 to vector<256x64xi32>
      %eq3A_82 = arith.cmpi eq, %iota3A_26, %eq3A_81 : vector<256x64xi32>
      %broadcast_in_dim3A_83 = vector.shape_cast %broadcast_in_dim3A_67 : vector<256x1xi32> to vector<256x1xi32>
      %broadcast_in_dim3A_84 = vector.broadcast %broadcast_in_dim3A_83 : vector<256x1xi32> to vector<256x64xi32>
      %select_n3A_85 = arith.select %eq3A_82, %broadcast_in_dim3A_84, %scan3A_56 : vector<256x64xi1>, vector<256x64xi32>
      scf.yield %select_n3A_80, %select_n3A_85 : vector<256x64xf32>, vector<256x64xi32>
    }
    %scan3A_35 = arith.constant 50 : i32
    %mul3A_36 = arith.constant 256 : i32
    %mul3A_37 = arith.muli %arg0, %mul3A_36 : i32
    %iota3A_38 = tpu.iota {dimensions = array<i32: 0>} : vector<256x64xi32>
    %add3A_39 = vector.broadcast %mul3A_37 : i32 to vector<256x64xi32>
    %add3A_40 = arith.addi %add3A_39, %iota3A_38 : vector<256x64xi32>
    %lt3A_41 = arith.cmpi slt, %iota3A_26, %add3A_40 : vector<256x64xi32>
    %lt3A_42 = arith.constant 50 : i32
    %lt3A_43 = vector.broadcast %lt3A_42 : i32 to vector<256x64xi32>
    %lt3A_44 = arith.cmpi slt, %iota3A_26, %lt3A_43 : vector<256x64xi32>
    %and3A = arith.andi %lt3A_41, %lt3A_44 : vector<256x64xi1>
    %jit3A_45 = arith.constant 0.000000e+00 : f32
    %broadcast_in_dim3A_46 = vector.broadcast %jit3A_45 : f32 to vector<256x64xf32>
    %select_n3A_47 = arith.select %and3A, %scan3A_34#0, %broadcast_in_dim3A_46 : vector<256x64xi1>, vector<256x64xf32>
    %swap3A_48 = arith.constant 0 : index
    %swap3A_49 = arith.constant 0 : index
    %swap3A_50 = vector.load %arg6[%swap3A_48, %swap3A_49] : memref<256x64xf32, #tpu.memory_space<vmem>>, vector<256x64xf32>
    tpu.vector_store %arg6[%swap3A_48, %swap3A_49], %select_n3A_47 {strides = array<i32>} : memref<256x64xf32, #tpu.memory_space<vmem>>, vector<256x64xf32>,
    %swap3A_51 = arith.constant 0 : index
    %swap3A_52 = arith.constant 0 : index
    %swap3A_53 = vector.load %arg7[%swap3A_51, %swap3A_52] : memref<256x64xi32, #tpu.memory_space<vmem>>, vector<256x64xi32>
    tpu.vector_store %arg7[%swap3A_51, %swap3A_52], %scan3A_34#1 {strides = array<i32>} : memref<256x64xi32, #tpu.memory_space<vmem>>, vector<256x64xi32>,
    return
  }
  func.func @transform_0(%arg0: i32) -> (i32, i32) {
    %c0_i32 = arith.constant 0 : i32
    %c0_i32_0 = arith.constant 0 : i32
    return %arg0, %c0_i32 : i32, i32
  }
  func.func @transform_1(%arg0: i32) -> (i32, i32) {
    %c0_i32 = arith.constant 0 : i32
    %c0_i32_0 = arith.constant 0 : i32
    %c0_i32_1 = arith.constant 0 : i32
    return %c0_i32, %c0_i32_0 : i32, i32
  }
  func.func @transform_2(%arg0: i32) -> (i32, i32) {
    %c0_i32 = arith.constant 0 : i32
    %c0_i32_0 = arith.constant 0 : i32
    %c0_i32_1 = arith.constant 0 : i32
    return %c0_i32, %c0_i32_0 : i32, i32
  }
  func.func @transform_3(%arg0: i32) -> (i32, i32) {
    %c0_i32 = arith.constant 0 : i32
    %c0_i32_0 = arith.constant 0 : i32
    return %arg0, %c0_i32 : i32, i32
  }
  func.func @transform_4(%arg0: i32) -> (i32, i32) {
    %c0_i32 = arith.constant 0 : i32
    %c0_i32_0 = arith.constant 0 : i32
    %c0_i32_1 = arith.constant 0 : i32
    return %c0_i32, %c0_i32_0 : i32, i32
  }
  func.func @transform_5(%arg0: i32) -> (i32, i32) {
    %c0_i32 = arith.constant 0 : i32
    %c0_i32_0 = arith.constant 0 : i32
    return %arg0, %c0_i32 : i32, i32
  }
  func.func @transform_6(%arg0: i32) -> (i32, i32) {
    %c0_i32 = arith.constant 0 : i32
    %c0_i32_0 = arith.constant 0 : i32
    return %arg0, %c0_i32 : i32, i32
  }
}

module attributes {stable_mosaic.version = 14 : i64} {
  func.func @_k3_body(%arg0: i32, %arg1: memref<16x256xf32, #tpu.memory_space<vmem>>, %arg2: memref<800x256xf32, #tpu.memory_space<vmem>>, %arg3: memref<800x128xi32, #tpu.memory_space<vmem>>, %arg4: memref<16x1xi32, #tpu.memory_space<vmem>>, %arg5: memref<768x1000xbf16, #tpu.memory_space<vmem>>, %arg6: memref<16x20xf32, #tpu.memory_space<vmem>>, %arg7: memref<20x1000xf32, #tpu.memory_space<vmem>>, %arg8: memref<1x1000xf32, #tpu.memory_space<vmem>>, %arg9: memref<1000x1xf32, #tpu.memory_space<vmem>>, %arg10: memref<1x1xf32, #tpu.memory_space<vmem>>, %arg11: memref<1x16xf32, #tpu.memory_space<vmem>>, %arg12: memref<800x1xf32, #tpu.memory_space<vmem>>) attributes {dimension_semantics = [#tpu.dimension_semantics<arbitrary>], iteration_bounds = array<i64: 128>, scalar_prefetch = 0 : i64, scratch_operands = 0 : i64, tpu.core_type = #tpu.core_type<tc>, window_params = [{transform_indices = @transform_0, window_bounds = array<i64: 16, 256>}, {transform_indices = @transform_1, window_bounds = array<i64: 800, 256>}, {transform_indices = @transform_2, window_bounds = array<i64: 800, 128>}, {transform_indices = @transform_3, window_bounds = array<i64: 16, 1>}, {pipeline_mode = #tpu.pipeline_mode<synchronous>, transform_indices = @transform_4, window_bounds = array<i64: 768, 1000>}, {pipeline_mode = #tpu.pipeline_mode<synchronous>, transform_indices = @transform_5, window_bounds = array<i64: 16, 20>}, {pipeline_mode = #tpu.pipeline_mode<synchronous>, transform_indices = @transform_6, window_bounds = array<i64: 20, 1000>}, {pipeline_mode = #tpu.pipeline_mode<synchronous>, transform_indices = @transform_7, window_bounds = array<i64: 1, 1000>}, {pipeline_mode = #tpu.pipeline_mode<synchronous>, transform_indices = @transform_8, window_bounds = array<i64: 1000, 1>}, {pipeline_mode = #tpu.pipeline_mode<synchronous>, transform_indices = @transform_9, window_bounds = array<i64: 1, 1>}, {pipeline_mode = #tpu.pipeline_mode<synchronous>, transform_indices = @transform_10, window_bounds = array<i64: 1, 16>}, {transform_indices = @transform_11, window_bounds = array<i64: 800, 1>}]} {
    %iota3A = tpu.iota {dimensions = array<i32: 0>} : vector<800x16xi32>
    %jit3A = arith.constant 50 : i32
    %div3A = vector.broadcast %jit3A : i32 to vector<800x16xi32>
    %div3A_0 = arith.divsi %iota3A, %div3A : vector<800x16xi32>
    %sign3A = arith.constant 0 : i32
    %sign3A_1 = vector.broadcast %sign3A : i32 to vector<800x16xi32>
    %sign3A_2 = arith.cmpi sgt, %iota3A, %sign3A_1 : vector<800x16xi32>
    %sign3A_3 = arith.extui %sign3A_2 : vector<800x16xi1> to vector<800x16xi32>
    %sign3A_4 = arith.constant 0 : i32
    %sign3A_5 = vector.broadcast %sign3A_4 : i32 to vector<800x16xi32>
    %sign3A_6 = arith.cmpi slt, %iota3A, %sign3A_5 : vector<800x16xi32>
    %sign3A_7 = arith.extui %sign3A_6 : vector<800x16xi1> to vector<800x16xi32>
    %sign3A_8 = arith.subi %sign3A_3, %sign3A_7 : vector<800x16xi32>
    %sign3A_9 = arith.constant 0 : i32
    %sign3A_10 = arith.cmpi sgt, %jit3A, %sign3A_9 : i32
    %sign3A_11 = arith.extui %sign3A_10 : i1 to i32
    %sign3A_12 = arith.constant 0 : i32
    %sign3A_13 = arith.cmpi slt, %jit3A, %sign3A_12 : i32
    %sign3A_14 = arith.extui %sign3A_13 : i1 to i32
    %sign3A_15 = arith.subi %sign3A_11, %sign3A_14 : i32
    %ne3A = vector.broadcast %sign3A_15 : i32 to vector<800x16xi32>
    %ne3A_16 = arith.cmpi ne, %sign3A_8, %ne3A : vector<800x16xi32>
    %rem3A = vector.broadcast %jit3A : i32 to vector<800x16xi32>
    %rem3A_17 = arith.remsi %iota3A, %rem3A : vector<800x16xi32>
    %ne3A_18 = arith.constant 0 : i32
    %ne3A_19 = vector.broadcast %ne3A_18 : i32 to vector<800x16xi32>
    %ne3A_20 = arith.cmpi ne, %rem3A_17, %ne3A_19 : vector<800x16xi32>
    %and3A = arith.andi %ne3A_16, %ne3A_20 : vector<800x16xi1>
    %sub3A = arith.constant 1 : i32
    %sub3A_21 = vector.broadcast %sub3A : i32 to vector<800x16xi32>
    %sub3A_22 = arith.subi %div3A_0, %sub3A_21 : vector<800x16xi32>
    %select_n3A = arith.select %and3A, %sub3A_22, %div3A_0 : vector<800x16xi1>, vector<800x16xi32>
    %iota3A_23 = tpu.iota {dimensions = array<i32: 1>} : vector<800x16xi32>
    %eq3A = arith.cmpi eq, %select_n3A, %iota3A_23 : vector<800x16xi32>
    %convert_element_type3A = arith.extui %eq3A : vector<800x16xi1> to vector<800x16xi32>
    %convert_element_type3A_24 = arith.sitofp %convert_element_type3A : vector<800x16xi32> to vector<800x16xf32>
    %get3A = arith.constant 0 : index
    %get3A_25 = arith.constant 0 : index
    %get3A_26 = vector.load %arg1[%get3A, %get3A_25] : memref<16x256xf32, #tpu.memory_space<vmem>>, vector<16x256xf32>
    %dot_general3A = arith.constant dense<0.000000e+00> : vector<800x256xf32>
    %dot_general3A_27 = tpu.matmul %convert_element_type3A_24, %get3A_26, %dot_general3A {dimension_numbers = #tpu.dot_dimension_numbers<[1], [0], [0], [1], [0, 0, 1, 1], [], []>, transpose_lhs_hint = false} : vector<800x16xf32>, vector<16x256xf32>, vector<800x256xf32> -> vector<800x256xf32>
    %get3A_28 = arith.constant 0 : index
    %get3A_29 = arith.constant 0 : index
    %get3A_30 = vector.load %arg2[%get3A_28, %get3A_29] : memref<800x256xf32, #tpu.memory_space<vmem>>, vector<800x256xf32>
    %mul3A = arith.mulf %dot_general3A_27, %get3A_30 : vector<800x256xf32>
    %concatenate3A = tpu.concatenate %dot_general3A_27, %get3A_30, %mul3A in 1 : vector<800x256xf32>, vector<800x256xf32>, vector<800x256xf32> -> vector<800x768xf32>
    %convert_element_type3A_31 = arith.truncf %concatenate3A : vector<800x768xf32> to vector<800x768xbf16>
    %get3A_32 = arith.constant 0 : index
    %get3A_33 = arith.constant 0 : index
    %get3A_34 = vector.load %arg5[%get3A_32, %get3A_33] : memref<768x1000xbf16, #tpu.memory_space<vmem>>, vector<768x1000xbf16>
    %dot_general3A_35 = arith.constant dense<0.000000e+00> : vector<800x1000xf32>
    %dot_general3A_36 = tpu.matmul %convert_element_type3A_31, %get3A_34, %dot_general3A_35 {dimension_numbers = #tpu.dot_dimension_numbers<[1], [0], [0], [1], [0, 0, 1, 1], [], []>, transpose_lhs_hint = false} : vector<800x768xbf16>, vector<768x1000xbf16>, vector<800x1000xf32> -> vector<800x1000xf32>
    %get3A_37 = arith.constant 0 : index
    %get3A_38 = arith.constant 0 : index
    %get3A_39 = vector.load %arg4[%get3A_37, %get3A_38] : memref<16x1xi32, #tpu.memory_space<vmem>>, vector<16x1xi32>
    %convert_element_type3A_40 = arith.sitofp %get3A_39 : vector<16x1xi32> to vector<16x1xf32>
    %dot_general3A_41 = arith.constant dense<0.000000e+00> : vector<800x1xf32>
    %dot_general3A_42 = tpu.matmul %convert_element_type3A_24, %convert_element_type3A_40, %dot_general3A_41 {dimension_numbers = #tpu.dot_dimension_numbers<[1], [0], [0], [1], [0, 0, 1, 1], [], []>, transpose_lhs_hint = false} : vector<800x16xf32>, vector<16x1xf32>, vector<800x1xf32> -> vector<800x1xf32>
    %get3A_43 = arith.constant 0 : index
    %get3A_44 = arith.constant 0 : index
    %get3A_45 = vector.load %arg3[%get3A_43, %get3A_44] : memref<800x128xi32, #tpu.memory_space<vmem>>, vector<800x128xi32>
    %slice3A = vector.extract_strided_slice %get3A_45 {offsets = [0, 0], sizes = [800, 1], strides = [1, 1]} : vector<800x128xi32> to vector<800x1xi32>
    %convert_element_type3A_46 = arith.sitofp %slice3A : vector<800x1xi32> to vector<800x1xf32>
    %sub3A_47 = arith.subf %dot_general3A_42, %convert_element_type3A_46 : vector<800x1xf32>
    %get3A_48 = arith.constant 0 : index
    %get3A_49 = arith.constant 0 : index
    %get3A_50 = vector.load %arg11[%get3A_48, %get3A_49] : memref<1x16xf32, #tpu.memory_space<vmem>>, vector<1x16xf32>
    %gt3A = vector.broadcast %sub3A_47 : vector<800x1xf32> to vector<800x16xf32>
    %gt3A_51 = vector.broadcast %get3A_50 : vector<1x16xf32> to vector<800x16xf32>
    %gt3A_52 = arith.cmpf ogt, %gt3A, %gt3A_51 : vector<800x16xf32>
    %convert_element_type3A_53 = arith.extui %gt3A_52 : vector<800x16xi1> to vector<800x16xi32>
    %convert_element_type3A_54 = arith.sitofp %convert_element_type3A_53 : vector<800x16xi32> to vector<800x16xf32>
    %reduce_sum3A = arith.constant dense<0.000000e+00> : vector<800xf32>
    %reduce_sum3A_55 = vector.multi_reduction <add>, %convert_element_type3A_54, %reduce_sum3A [1] : vector<800x16xf32> to vector<800xf32>
    %broadcast_in_dim3A = vector.shape_cast %reduce_sum3A_55 : vector<800xf32> to vector<800x1xf32>
    %convert_element_type3A_56 = arith.sitofp %iota3A_23 : vector<800x16xi32> to vector<800x16xf32>
    %eq3A_57 = vector.broadcast %broadcast_in_dim3A : vector<800x1xf32> to vector<800x16xf32>
    %eq3A_58 = arith.cmpf oeq, %eq3A_57, %convert_element_type3A_56 : vector<800x16xf32>
    %lt3A = arith.constant 12 : i32
    %lt3A_59 = vector.broadcast %lt3A : i32 to vector<800x16xi32>
    %lt3A_60 = arith.cmpi slt, %iota3A_23, %lt3A_59 : vector<800x16xi32>
    %and3A_61 = arith.andi %eq3A_58, %lt3A_60 : vector<800x16xi1>
    %convert_element_type3A_62 = arith.extui %and3A_61 : vector<800x16xi1> to vector<800x16xi32>
    %convert_element_type3A_63 = arith.sitofp %convert_element_type3A_62 : vector<800x16xi32> to vector<800x16xf32>
    %get3A_64 = arith.constant 0 : index
    %get3A_65 = arith.constant 0 : index
    %get3A_66 = vector.load %arg6[%get3A_64, %get3A_65] : memref<16x20xf32, #tpu.memory_space<vmem>>, vector<16x20xf32>
    %get3A_67 = arith.constant 0 : index
    %get3A_68 = arith.constant 0 : index
    %get3A_69 = vector.load %arg7[%get3A_67, %get3A_68] : memref<20x1000xf32, #tpu.memory_space<vmem>>, vector<20x1000xf32>
    %dot_general3A_70 = arith.constant dense<0.000000e+00> : vector<16x1000xf32>
    %dot_general3A_71 = tpu.matmul %get3A_66, %get3A_69, %dot_general3A_70 {dimension_numbers = #tpu.dot_dimension_numbers<[1], [0], [0], [1], [0, 0, 1, 1], [], []>, transpose_lhs_hint = false} : vector<16x20xf32>, vector<20x1000xf32>, vector<16x1000xf32> -> vector<16x1000xf32>
    %dot_general3A_72 = arith.constant dense<0.000000e+00> : vector<800x1000xf32>
    %dot_general3A_73 = tpu.matmul %convert_element_type3A_63, %dot_general3A_71, %dot_general3A_72 {dimension_numbers = #tpu.dot_dimension_numbers<[1], [0], [0], [1], [0, 0, 1, 1], [], []>, transpose_lhs_hint = false} : vector<800x16xf32>, vector<16x1000xf32>, vector<800x1000xf32> -> vector<800x1000xf32>
    %add3A = arith.addf %dot_general3A_36, %dot_general3A_73 : vector<800x1000xf32>
    %get3A_74 = arith.constant 0 : index
    %get3A_75 = arith.constant 0 : index
    %get3A_76 = vector.load %arg8[%get3A_74, %get3A_75] : memref<1x1000xf32, #tpu.memory_space<vmem>>, vector<1x1000xf32>
    %add3A_77 = vector.broadcast %get3A_76 : vector<1x1000xf32> to vector<800x1000xf32>
    %add3A_78 = arith.addf %add3A, %add3A_77 : vector<800x1000xf32>
    %ge3A = arith.constant 0.000000e+00 : f32
    %ge3A_79 = vector.broadcast %ge3A : f32 to vector<800x1000xf32>
    %ge3A_80 = arith.cmpf oge, %add3A_78, %ge3A_79 : vector<800x1000xf32>
    %mul3A_81 = arith.constant 0.00999999977 : f32
    %mul3A_82 = vector.broadcast %mul3A_81 : f32 to vector<800x1000xf32>
    %mul3A_83 = arith.mulf %mul3A_82, %add3A_78 : vector<800x1000xf32>
    %select_n3A_84 = arith.select %ge3A_80, %add3A_78, %mul3A_83 : vector<800x1000xi1>, vector<800x1000xf32>
    %get3A_85 = arith.constant 0 : index
    %get3A_86 = arith.constant 0 : index
    %get3A_87 = vector.load %arg9[%get3A_85, %get3A_86] : memref<1000x1xf32, #tpu.memory_space<vmem>>, vector<1000x1xf32>
    %dot_general3A_88 = arith.constant dense<0.000000e+00> : vector<800x1xf32>
    %dot_general3A_89 = tpu.matmul %select_n3A_84, %get3A_87, %dot_general3A_88 {dimension_numbers = #tpu.dot_dimension_numbers<[1], [0], [0], [1], [0, 0, 1, 1], [], []>, transpose_lhs_hint = false} : vector<800x1000xf32>, vector<1000x1xf32>, vector<800x1xf32> -> vector<800x1xf32>
    %get3A_90 = arith.constant 0 : index
    %get3A_91 = arith.constant 0 : index
    %get3A_92 = vector.load %arg10[%get3A_90, %get3A_91] : memref<1x1xf32, #tpu.memory_space<vmem>>, vector<1x1xf32>
    %add3A_93 = vector.broadcast %get3A_92 : vector<1x1xf32> to vector<800x1xf32>
    %add3A_94 = arith.addf %dot_general3A_89, %add3A_93 : vector<800x1xf32>
    %swap3A = arith.constant 0 : index
    %swap3A_95 = arith.constant 0 : index
    %swap3A_96 = vector.load %arg12[%swap3A, %swap3A_95] : memref<800x1xf32, #tpu.memory_space<vmem>>, vector<800x1xf32>
    tpu.vector_store %arg12[%swap3A, %swap3A_95], %add3A_94 {strides = array<i32>} : memref<800x1xf32, #tpu.memory_space<vmem>>, vector<800x1xf32>,
    return
  }
  func.func @transform_0(%arg0: i32) -> (i32, i32) {
    %c0_i32 = arith.constant 0 : i32
    %c0_i32_0 = arith.constant 0 : i32
    return %arg0, %c0_i32 : i32, i32
  }
  func.func @transform_1(%arg0: i32) -> (i32, i32) {
    %c0_i32 = arith.constant 0 : i32
    %c0_i32_0 = arith.constant 0 : i32
    return %arg0, %c0_i32 : i32, i32
  }
  func.func @transform_2(%arg0: i32) -> (i32, i32) {
    %c0_i32 = arith.constant 0 : i32
    %c0_i32_0 = arith.constant 0 : i32
    return %arg0, %c0_i32 : i32, i32
  }
  func.func @transform_3(%arg0: i32) -> (i32, i32) {
    %c0_i32 = arith.constant 0 : i32
    %c0_i32_0 = arith.constant 0 : i32
    return %arg0, %c0_i32 : i32, i32
  }
  func.func @transform_4(%arg0: i32) -> (i32, i32) {
    %c0_i32 = arith.constant 0 : i32
    %c0_i32_0 = arith.constant 0 : i32
    %c0_i32_1 = arith.constant 0 : i32
    return %c0_i32, %c0_i32_0 : i32, i32
  }
  func.func @transform_5(%arg0: i32) -> (i32, i32) {
    %c0_i32 = arith.constant 0 : i32
    %c0_i32_0 = arith.constant 0 : i32
    %c0_i32_1 = arith.constant 0 : i32
    return %c0_i32, %c0_i32_0 : i32, i32
  }
  func.func @transform_6(%arg0: i32) -> (i32, i32) {
    %c0_i32 = arith.constant 0 : i32
    %c0_i32_0 = arith.constant 0 : i32
    %c0_i32_1 = arith.constant 0 : i32
    return %c0_i32, %c0_i32_0 : i32, i32
  }
  func.func @transform_7(%arg0: i32) -> (i32, i32) {
    %c0_i32 = arith.constant 0 : i32
    %c0_i32_0 = arith.constant 0 : i32
    %c0_i32_1 = arith.constant 0 : i32
    return %c0_i32, %c0_i32_0 : i32, i32
  }
  func.func @transform_8(%arg0: i32) -> (i32, i32) {
    %c0_i32 = arith.constant 0 : i32
    %c0_i32_0 = arith.constant 0 : i32
    %c0_i32_1 = arith.constant 0 : i32
    return %c0_i32, %c0_i32_0 : i32, i32
  }
  func.func @transform_9(%arg0: i32) -> (i32, i32) {
    %c0_i32 = arith.constant 0 : i32
    %c0_i32_0 = arith.constant 0 : i32
    %c0_i32_1 = arith.constant 0 : i32
    return %c0_i32, %c0_i32_0 : i32, i32
  }
  func.func @transform_10(%arg0: i32) -> (i32, i32) {
    %c0_i32 = arith.constant 0 : i32
    %c0_i32_0 = arith.constant 0 : i32
    %c0_i32_1 = arith.constant 0 : i32
    return %c0_i32, %c0_i32_0 : i32, i32
  }
  func.func @transform_11(%arg0: i32) -> (i32, i32) {
    %c0_i32 = arith.constant 0 : i32
    %c0_i32_0 = arith.constant 0 : i32
    return %arg0, %c0_i32 : i32, i32
  }
}

module attributes {stable_mosaic.version = 14 : i64} {
  func.func @_k4_body(%arg0: i32, %arg1: memref<32x256xf32, #tpu.memory_space<vmem>>, %arg2: memref<32x50x256xf32, #tpu.memory_space<vmem>>, %arg3: memref<32x64xf32, #tpu.memory_space<vmem>>, %arg4: memref<32x64xf32, #tpu.memory_space<vmem>>, %arg5: memref<256x256xf32, #tpu.memory_space<vmem>>, %arg6: memref<256x256xf32, #tpu.memory_space<vmem>>, %arg7: memref<1x256xf32, #tpu.memory_space<vmem>>, %arg8: memref<32x256xf32, #tpu.memory_space<vmem>>) attributes {dimension_semantics = [#tpu.dimension_semantics<arbitrary>], iteration_bounds = array<i64: 64>, scalar_prefetch = 0 : i64, scratch_operands = 0 : i64, tpu.core_type = #tpu.core_type<tc>, window_params = [{transform_indices = @transform_0, window_bounds = array<i64: 32, 256>}, {transform_indices = @transform_1, window_bounds = array<i64: 32, 50, 256>}, {transform_indices = @transform_2, window_bounds = array<i64: 32, 64>}, {transform_indices = @transform_3, window_bounds = array<i64: 32, 64>}, {pipeline_mode = #tpu.pipeline_mode<synchronous>, transform_indices = @transform_4, window_bounds = array<i64: 256, 256>}, {pipeline_mode = #tpu.pipeline_mode<synchronous>, transform_indices = @transform_5, window_bounds = array<i64: 256, 256>}, {pipeline_mode = #tpu.pipeline_mode<synchronous>, transform_indices = @transform_6, window_bounds = array<i64: 1, 256>}, {transform_indices = @transform_7, window_bounds = array<i64: 32, 256>}]} {
    %mul3A = arith.constant 32 : i32
    %mul3A_0 = arith.muli %arg0, %mul3A : i32
    %iota3A = tpu.iota {dimensions = array<i32: 0>} : vector<32x64xi32>
    %add3A = vector.broadcast %mul3A_0 : i32 to vector<32x64xi32>
    %add3A_1 = arith.addi %add3A, %iota3A : vector<32x64xi32>
    %iota3A_2 = tpu.iota {dimensions = array<i32: 1>} : vector<32x64xi32>
    %lt3A = arith.cmpi slt, %iota3A_2, %add3A_1 : vector<32x64xi32>
    %lt3A_3 = arith.constant 50 : i32
    %lt3A_4 = vector.broadcast %lt3A_3 : i32 to vector<32x64xi32>
    %lt3A_5 = arith.cmpi slt, %iota3A_2, %lt3A_4 : vector<32x64xi32>
    %and3A = arith.andi %lt3A, %lt3A_5 : vector<32x64xi1>
    %get3A = arith.constant 0 : index
    %get3A_6 = arith.constant 0 : index
    %get3A_7 = vector.load %arg3[%get3A, %get3A_6] : memref<32x64xf32, #tpu.memory_space<vmem>>, vector<32x64xf32>
    %get3A_8 = arith.constant 0 : index
    %get3A_9 = arith.constant 0 : index
    %get3A_10 = vector.load %arg4[%get3A_8, %get3A_9] : memref<32x64xf32, #tpu.memory_space<vmem>>, vector<32x64xf32>
    %add3A_11 = arith.addf %get3A_7, %get3A_10 : vector<32x64xf32>
    %jit3A = arith.constant -1.000000e+10 : f32
    %broadcast_in_dim3A = vector.broadcast %jit3A : f32 to vector<32x64xf32>
    %select_n3A = arith.select %and3A, %add3A_11, %broadcast_in_dim3A : vector<32x64xi1>, vector<32x64xf32>
    %reduce_max3A = arith.constant dense<0xFF800000> : vector<32xf32>
    %reduce_max3A_12 = vector.multi_reduction <maximumf>, %select_n3A, %reduce_max3A [1] : vector<32x64xf32> to vector<32xf32>
    %broadcast_in_dim3A_13 = vector.shape_cast %reduce_max3A_12 : vector<32xf32> to vector<32x1xf32>
    %max3A = arith.constant 0.000000e+00 : f32
    %max3A_14 = vector.broadcast %max3A : f32 to vector<32x1xf32>
    %max3A_15 = arith.maximumf %broadcast_in_dim3A_13, %max3A_14 : vector<32x1xf32>
    %sub3A = vector.broadcast %max3A_15 : vector<32x1xf32> to vector<32x64xf32>
    %sub3A_16 = arith.subf %select_n3A, %sub3A : vector<32x64xf32>
    %exp3A = math.exp %sub3A_16 : vector<32x64xf32>
    %jit3A_17 = arith.constant 0.000000e+00 : f32
    %broadcast_in_dim3A_18 = vector.broadcast %jit3A_17 : f32 to vector<32x64xf32>
    %select_n3A_19 = arith.select %and3A, %exp3A, %broadcast_in_dim3A_18 : vector<32x64xi1>, vector<32x64xf32>
    %neg3A = arith.constant 0.000000e+00 : f32
    %neg3A_20 = vector.broadcast %neg3A : f32 to vector<32x1xf32>
    %neg3A_21 = arith.subf %neg3A_20, %max3A_15 : vector<32x1xf32>
    %exp3A_22 = math.exp %neg3A_21 : vector<32x1xf32>
    %reduce_sum3A = arith.constant dense<0.000000e+00> : vector<32xf32>
    %reduce_sum3A_23 = vector.multi_reduction <add>, %select_n3A_19, %reduce_sum3A [1] : vector<32x64xf32> to vector<32xf32>
    %broadcast_in_dim3A_24 = vector.shape_cast %reduce_sum3A_23 : vector<32xf32> to vector<32x1xf32>
    %add3A_25 = arith.addf %exp3A_22, %broadcast_in_dim3A_24 : vector<32x1xf32>
    %div3A = vector.broadcast %add3A_25 : vector<32x1xf32> to vector<32x64xf32>
    %div3A_26 = arith.divf %select_n3A_19, %div3A : vector<32x64xf32>
    %div3A_27 = arith.divf %exp3A_22, %add3A_25 : vector<32x1xf32>
    %reshape3A = vector.shape_cast %div3A_26 : vector<32x64xf32> to vector<32x1x64xf32>
    %slice3A = vector.extract_strided_slice %reshape3A {offsets = [0, 0, 0], sizes = [32, 1, 50], strides = [1, 1, 1]} : vector<32x1x64xf32> to vector<32x1x50xf32>
    %get3A_28 = arith.constant 0 : index
    %get3A_29 = arith.constant 0 : index
    %get3A_30 = arith.constant 0 : index
    %get3A_31 = vector.load %arg2[%get3A_28, %get3A_29, %get3A_30] : memref<32x50x256xf32, #tpu.memory_space<vmem>>, vector<32x50x256xf32>
    %dot_general3A = arith.constant dense<0.000000e+00> : vector<32x1x256xf32>
    %dot_general3A_32 = tpu.matmul %slice3A, %get3A_31, %dot_general3A {dimension_numbers = #tpu.dot_dimension_numbers<[2], [1], [1], [2], [0, 0, 0, 1, 1, 2], [0], [0]>, transpose_lhs_hint = false} : vector<32x1x50xf32>, vector<32x50x256xf32>, vector<32x1x256xf32> -> vector<32x1x256xf32>
    %get3A_33 = arith.constant 0 : index
    %get3A_34 = arith.constant 0 : index
    %get3A_35 = vector.load %arg1[%get3A_33, %get3A_34] : memref<32x256xf32, #tpu.memory_space<vmem>>, vector<32x256xf32>
    %reshape3A_36 = vector.shape_cast %dot_general3A_32 : vector<32x1x256xf32> to vector<32x256xf32>
    %mul3A_37 = vector.broadcast %div3A_27 : vector<32x1xf32> to vector<32x256xf32>
    %mul3A_38 = arith.mulf %mul3A_37, %get3A_35 : vector<32x256xf32>
    %add3A_39 = arith.addf %reshape3A_36, %mul3A_38 : vector<32x256xf32>
    %get3A_40 = arith.constant 0 : index
    %get3A_41 = arith.constant 0 : index
    %get3A_42 = vector.load %arg5[%get3A_40, %get3A_41] : memref<256x256xf32, #tpu.memory_space<vmem>>, vector<256x256xf32>
    %dot_general3A_43 = arith.constant dense<0.000000e+00> : vector<32x256xf32>
    %dot_general3A_44 = tpu.matmul %get3A_35, %get3A_42, %dot_general3A_43 {dimension_numbers = #tpu.dot_dimension_numbers<[1], [0], [0], [1], [0, 0, 1, 1], [], []>, transpose_lhs_hint = false} : vector<32x256xf32>, vector<256x256xf32>, vector<32x256xf32> -> vector<32x256xf32>
    %get3A_45 = arith.constant 0 : index
    %get3A_46 = arith.constant 0 : index
    %get3A_47 = vector.load %arg6[%get3A_45, %get3A_46] : memref<256x256xf32, #tpu.memory_space<vmem>>, vector<256x256xf32>
    %dot_general3A_48 = arith.constant dense<0.000000e+00> : vector<32x256xf32>
    %dot_general3A_49 = tpu.matmul %add3A_39, %get3A_47, %dot_general3A_48 {dimension_numbers = #tpu.dot_dimension_numbers<[1], [0], [0], [1], [0, 0, 1, 1], [], []>, transpose_lhs_hint = false} : vector<32x256xf32>, vector<256x256xf32>, vector<32x256xf32> -> vector<32x256xf32>
    %add3A_50 = arith.addf %dot_general3A_44, %dot_general3A_49 : vector<32x256xf32>
    %get3A_51 = arith.constant 0 : index
    %get3A_52 = arith.constant 0 : index
    %get3A_53 = vector.load %arg7[%get3A_51, %get3A_52] : memref<1x256xf32, #tpu.memory_space<vmem>>, vector<1x256xf32>
    %add3A_54 = vector.broadcast %get3A_53 : vector<1x256xf32> to vector<32x256xf32>
    %add3A_55 = arith.addf %add3A_50, %add3A_54 : vector<32x256xf32>
    %neg3A_56 = arith.constant 0.000000e+00 : f32
    %neg3A_57 = vector.broadcast %neg3A_56 : f32 to vector<32x256xf32>
    %neg3A_58 = arith.subf %neg3A_57, %add3A_55 : vector<32x256xf32>
    %exp3A_59 = math.exp %neg3A_58 : vector<32x256xf32>
    %add3A_60 = arith.constant 1.000000e+00 : f32
    %add3A_61 = vector.broadcast %add3A_60 : f32 to vector<32x256xf32>
    %add3A_62 = arith.addf %add3A_61, %exp3A_59 : vector<32x256xf32>
    %div3A_63 = arith.constant 1.000000e+00 : f32
    %div3A_64 = vector.broadcast %div3A_63 : f32 to vector<32x256xf32>
    %div3A_65 = arith.divf %div3A_64, %add3A_62 : vector<32x256xf32>
    %mul3A_66 = arith.mulf %div3A_65, %get3A_35 : vector<32x256xf32>
    %sub3A_67 = arith.constant 1.000000e+00 : f32
    %sub3A_68 = vector.broadcast %sub3A_67 : f32 to vector<32x256xf32>
    %sub3A_69 = arith.subf %sub3A_68, %div3A_65 : vector<32x256xf32>
    %mul3A_70 = arith.mulf %sub3A_69, %add3A_39 : vector<32x256xf32>
    %add3A_71 = arith.addf %mul3A_66, %mul3A_70 : vector<32x256xf32>
    %swap3A = arith.constant 0 : index
    %swap3A_72 = arith.constant 0 : index
    %swap3A_73 = vector.load %arg8[%swap3A, %swap3A_72] : memref<32x256xf32, #tpu.memory_space<vmem>>, vector<32x256xf32>
    tpu.vector_store %arg8[%swap3A, %swap3A_72], %add3A_71 {strides = array<i32>} : memref<32x256xf32, #tpu.memory_space<vmem>>, vector<32x256xf32>,
    return
  }
  func.func @transform_0(%arg0: i32) -> (i32, i32) {
    %c0_i32 = arith.constant 0 : i32
    %c0_i32_0 = arith.constant 0 : i32
    return %arg0, %c0_i32 : i32, i32
  }
  func.func @transform_1(%arg0: i32) -> (i32, i32, i32) {
    %c0_i32 = arith.constant 0 : i32
    %c0_i32_0 = arith.constant 0 : i32
    %c0_i32_1 = arith.constant 0 : i32
    return %arg0, %c0_i32, %c0_i32_0 : i32, i32, i32
  }
  func.func @transform_2(%arg0: i32) -> (i32, i32) {
    %c0_i32 = arith.constant 0 : i32
    %c0_i32_0 = arith.constant 0 : i32
    return %arg0, %c0_i32 : i32, i32
  }
  func.func @transform_3(%arg0: i32) -> (i32, i32) {
    %c0_i32 = arith.constant 0 : i32
    %c0_i32_0 = arith.constant 0 : i32
    return %arg0, %c0_i32 : i32, i32
  }
  func.func @transform_4(%arg0: i32) -> (i32, i32) {
    %c0_i32 = arith.constant 0 : i32
    %c0_i32_0 = arith.constant 0 : i32
    %c0_i32_1 = arith.constant 0 : i32
    return %c0_i32, %c0_i32_0 : i32, i32
  }
  func.func @transform_5(%arg0: i32) -> (i32, i32) {
    %c0_i32 = arith.constant 0 : i32
    %c0_i32_0 = arith.constant 0 : i32
    %c0_i32_1 = arith.constant 0 : i32
    return %c0_i32, %c0_i32_0 : i32, i32
  }
  func.func @transform_6(%arg0: i32) -> (i32, i32) {
    %c0_i32 = arith.constant 0 : i32
    %c0_i32_0 = arith.constant 0 : i32
    %c0_i32_1 = arith.constant 0 : i32
    return %c0_i32, %c0_i32_0 : i32, i32
  }
  func.func @transform_7(%arg0: i32) -> (i32, i32) {
    %c0_i32 = arith.constant 0 : i32
    %c0_i32_0 = arith.constant 0 : i32
    return %arg0, %c0_i32 : i32, i32
  }
}

</mosaic_0001>

<sc_bundles>
// kernel: kernel.11.cloned.1.call-start
scs
__scs_entry_jumppad:
0x0: {  	(pc) =	sbr.rel $0x88, $3  }
0x1: {  	(tag) =	ssettag $0x0;
	lr =	simm.s32 $0x1  }
0x2: {  	[smem:$0x3F95] =	sst lr;
	_ =	strace $0xD0000000  }
0x3: {  	_ = 	snop  }
0x4: {  	_ = 	snop  }
0x5: {  	_ = 	snop  }
0x6: {  	_ = 	snop  }
0x7: {  	_ = 	snop  }
__scs_overlays_trampoline_lowered:
0x8: {  	[smem:$0x3FA4] =	sst s0  }
0x9: {  	[smem:$0x3FA5] =	sst s1  }
0xa: {  	[smem:$0x3FA6] =	sst s2  }
0xb: {  	[smem:$0x3FA7] =	sst s3  }
0xc: {  	[smem:$0x3FA8] =	sst s4  }
0xd: {  	[smem:$0x3FA9] =	sst s5  }
0xe: {  	[smem:$0x3FAA] =	sst s6  }
0xf: {  	[smem:$0x3FAB] =	sst s7  }
0x10: {  	[smem:$0x3FAC] =	sst s8  }
0x11: {  	[smem:$0x3FAD] =	sst s9;
	s0 =	simm.s32 @!p0 $0x0  }
0x12: {  	s1 =	sld [smem:$0x3F93];
	s0 =	simm.s32 @p0 $0x1  }
0x13: {  	[smem:$0x3FAE] =	sst s0;
	s0 =	simm.s32 @!p1 $0x0  }
0x14: {  	s2 =	sld [smem:$0x3F92];
	s0 =	simm.s32 @p1 $0x1  }
0x15: {  	[smem:$0x3FAF] =	sst s0;
	s0 =	simm.s32 @!p2 $0x0  }
0x16: {  	s3 =	sld [smem:$0x3FDB];
	s0 =	simm.s32 @p2 $0x1  }
0x17: {  	s4 =	simm.s32 $0x1BF5;
	[smem:$0x3FB1] =	sst s0  }
0x18: {  	s0 =	sld [smem:$0x3F94];
	_ =	swait.ge [sflag:s4], $0x0  }
0x19: {  	s7 =	sld [smem:$0x3F95]  }
0x1a: {  	s8 =	sadd.s32 $0xFFFFE003, lr  }
0x1b: {  	s9 =	sadd.s32 $0xFFFFFEF7, lr;
	s5 =	simm.s32 $0xFFFFFFFF;
	p2 =	slt.u32 s8, $0xFFFFF086  }
0x1c: {  	p1 =	slt.u32 s9, $0xF7A;
	s5 =	simm.s32 @!p2 $0x0  }
0x1d: {  	s5 =	simm.s32 @p1 $0x1;
	p0 =	seq.s32 s7, s2  }
0x1e: {  	s7 =	smul.u32 @!p0 $0xF7A, s2;
	p2 =	seq.s32 @!p0 s5, $0x0  }
0x1f: {  	s9 =	smul.u32 $0xF7A, s1;
	s8 =	simm.s32 @!p0 $0x1BF5;
	p2 =	por !p2, p0  }
0x20: {  	[sflag:s8] =	ssyncset.s32 @!p0 $0xFFFFF086;
	s6 =	sadd.s32 @!p0 s3, s7;
	s7 =	simm.s32 @!p0 $0x108  }
0x21: {  	s3 =	sadd.s32 s3, s9;
	s6 =	sadd.s32 @!p0 $0x88, s6;
	s7 =	simm.s32 @p2 $0x1082  }
0x22: {  	[simem:s7], [sflag:s8] =	dma.local @!p0 [hbm:s6], $0xF7A  }
0x23: {  	s9 =	sor.u32 $0xD0000000, s2;
	s6 =	simm.s32 $0x108;
	_ =	swait.ge @!p0 [sflag:s8], $0x0  }
0x24: {  	s3 =	sadd.s32 $0x88, s3;
	s6 =	simm.s32 @!p1 $0x1082;
	[sflag:s4] =	ssyncset.s32 $0xFFFFF086  }
0x25: {  	[simem:s6], [sflag:s4] =	dma.local [hbm:s3], $0xF7A  }
0x26: {  	[smem:$0x3F95] =	sst s1;
	(tag) =	ssettag s2;
	_ =	strace s9  }
0x27: {  	s1 =	sld [smem:$0x3FA5]  }
0x28: {  	s2 =	sld [smem:$0x3FA6]  }
0x29: {  	s4 =	sld [smem:$0x3FA8]  }
0x2a: {  	p0 =	seq.s32 s5, $0x0;
	s5 =	sld [smem:$0x3FA9]  }
0x2b: {  	s6 =	sld [smem:$0x3FAA]  }
0x2c: {  	s7 =	sld [smem:$0x3FAB]  }
0x2d: {  	s3 =	simm.s32 $0x108;
	s8 =	sld [smem:$0x3FAC]  }
0x2e: {  	s3 =	simm.s32 @!p0 $0x1082;
	s9 =	sld [smem:$0x3FAD]  }
0x2f: {  	lr =	sadd.s32 s0, s3;
	s0 =	sld [smem:$0x3FA4]  }
0x30: {  	s3 =	sld [smem:$0x3FA7]  }
0x31: {  	[smem:$0x3FB0] =	sst s10  }
0x32: {  	s10 =	sld [smem:$0x3FAE];
	_ =	sdelay $0x3  }
0x33: {  	p0 =	seq.s32 s10, $0x1;
	s10 =	sld [smem:$0x3FB0];
	_ =	sdelay $0x3  }
0x34: {  	[smem:$0x3FB0] =	sst s10  }
0x35: {  	s10 =	sld [smem:$0x3FAF];
	_ =	sdelay $0x3  }
0x36: {  	p1 =	seq.s32 s10, $0x1;
	s10 =	sld [smem:$0x3FB0];
	_ =	sdelay $0x3  }
0x37: {  	[smem:$0x3FB0] =	sst s10  }
0x38: {  	s10 =	sld [smem:$0x3FB1]  }
0x39: {  	_ = 	snop;
	(pc) =	sbr.ind lr, $3  }
0x3a: {  	_ = 	snop  }
0x3b: {  	_ = 	snop  }
0x3c: {  	p2 =	seq.s32 s10, $0x1;
	s10 =	sld [smem:$0x3FB0]  }
0x3d: {  	_ =	shalt  }
0x3e: {  	_ =	shalt  }
0x3f: {  	_ =	shalt  }
0x40: {  	_ =	shalt  }
0x41: {  	_ =	shalt  }
0x42: {  	_ =	shalt  }
0x43: {  	_ =	shalt  }
0x44: {  	_ =	shalt  }
0x45: {  	_ =	shalt  }
0x46: {  	_ =	shalt  }
0x47: {  	_ =	shalt  }
0x48: {  	_ =	shalt  }
0x49: {  	_ =	shalt  }
0x4a: {  	_ =	shalt  }
0x4b: {  	_ =	shalt  }
0x4c: {  	_ =	shalt  }
0x4d: {  	_ =	shalt  }
0x4e: {  	_ =	shalt  }
0x4f: {  	_ =	shalt  }
0x50: {  	_ =	shalt  }
0x51: {  	_ =	shalt  }
0x52: {  	_ =	shalt  }
0x53: {  	_ =	shalt  }
0x54: {  	_ =	shalt  }
0x55: {  	_ =	shalt  }
0x56: {  	_ =	shalt  }
0x57: {  	_ =	shalt  }
0x58: {  	_ =	shalt  }
0x59: {  	_ =	shalt  }
0x5a: {  	_ =	shalt  }
0x5b: {  	_ =	shalt  }
0x5c: {  	_ =	shalt  }
0x5d: {  	_ =	shalt  }
0x5e: {  	_ =	shalt  }
0x5f: {  	_ =	shalt  }
0x60: {  	_ =	shalt  }
0x61: {  	_ =	shalt  }
0x62: {  	_ =	shalt  }
0x63: {  	_ =	shalt  }
0x64: {  	_ =	shalt  }
0x65: {  	_ =	shalt  }
0x66: {  	_ =	shalt  }
0x67: {  	_ =	shalt  }
0x68: {  	_ =	shalt  }
0x69: {  	_ =	shalt  }
0x6a: {  	_ =	shalt  }
0x6b: {  	_ =	shalt  }
0x6c: {  	_ =	shalt  }
0x6d: {  	_ =	shalt  }
0x6e: {  	_ =	shalt  }
0x6f: {  	_ =	shalt  }
0x70: {  	_ =	shalt  }
0x71: {  	_ =	shalt  }
0x72: {  	_ =	shalt  }
0x73: {  	_ =	shalt  }
0x74: {  	_ =	shalt  }
0x75: {  	_ =	shalt  }
0x76: {  	_ =	shalt  }
0x77: {  	_ =	shalt  }
0x78: {  	_ =	shalt  }
0x79: {  	_ =	shalt  }
0x7a: {  	_ =	shalt  }
0x7b: {  	_ =	shalt  }
0x7c: {  	_ =	shalt  }
0x7d: {  	_ =	shalt  }
0x7e: {  	_ =	shalt  }
0x7f: {  	_ =	shalt  }
0x80: {  	_ =	shalt  }
0x81: {  	_ =	shalt  }
0x82: {  	_ =	shalt  }
0x83: {  	_ =	shalt  }
0x84: {  	_ =	shalt  }
0x85: {  	_ =	shalt  }
0x86: {  	_ =	shalt  }
0x87: {  	_ =	shalt  }
.Lfunc_end0:
.L_simem_size_0:
called_computation.1_lowered:
.L_overlay_start_0:
0x88: {  	s2 =	sld [smem:$0x3FD9]  }
0x89: {  	s3 =	sld [smem:$0x3FFE];
	_ =	sdelay $0x1  }
0x8a: {  	s1 =	srdreg.scid  }
0x8b: {  	s0 =	sand.u32 $0x1, s1  }
0x8c: {  	s17 =	sshll.u32 s0, $0xA;
	s2 =	sadd.s32 s3, s2  }
0x8d: {  	s2 =	sadd.s32 s2, s17  }
0x8e: {  	[smem:$0x3FBC] =	sst s2  }
0x8f: {  	_ = 	snop  }
0x90: {  	s2 =	sld [smem:$0x3FD0];
	(tm) =	ssettm $0x1  }
0x91: {  	s18 =	sld [smem:$0x3FFB];
	_ =	sdelay $0x3  }
0x92: {  	_ =	strace s18  }
0x93: {  	s3 =	sld [smem:$0x3FFC];
	_ =	sdelay $0x3  }
0x94: {  	_ =	strace s3  }
0x95: {  	s3 =	sld [smem:$0x3FFD];
	_ =	sdelay $0x3  }
0x96: {  	_ =	strace s3  }
0x97: {  	_ =	strace $0x8FFFFFFF  }
0x98: {  	s19 =	sld [smem:$0x3FDB];
	_ =	sdelay $0x1  }
0x99: {  	s4 =	simm.s32 $_scs_section_size  }
0x9a: {  	s5 =	simm.s32 $_size__tile_overlayer_lowered;
	s6 =	simm.s32 $_tile_overlayer_lowered  }
0x9b: {  	s22 =	simm.s32 $0x1BFF;
	s21 =	sshll.u32 s6, $0x1;
	s3 =	sadd.s32 s4, s19  }
0x9c: {  	s7 =	simm.s32 $0x0;
	s20 =	sshll.u32 s5, $0x1;
	s5 =	sadd.s32 s21, s3  }
0x9d: {  	[timem:s7], [sflag:s22] =	dma.local [hbm:s5], s20  }
0x9e: {  	_ =	swait.ge [sflag:s22], s20  }
0x9f: {  	s4 =	ssub.s32 $0x0, s20;
	[sflag:s22] =	ssyncset.done $0x0  }
0xa0: {  	[sflag:s22] =	ssyncadd.s32 s4;
	_ =	sdelay $0x1  }
0xa1: {  	s23 =	simm.s32 $0x1B8B  }
0xa2: {  	_ =	swait.ge [sflag:s23], $0x1  }
0xa3: {  	[sflag:s23] =	ssyncset.done $0x0  }
0xa4: {  	s25 =	simm.s32 $0x1B8E;
	s24 =	sld [smem:$0x3FFE];
	[sflag:s23] =	ssyncadd.s32 $0xFFFFFFFF  }
0xa5: {  	s26 =	simm.s32 $execute0_lowered;
	[smem:$0x3FD2] =	sst s25  }
0xa6: {  	s5 =	sshll.u32 s26, $0x1;
	_ =	strace $0x80000049;
	[dreg:$0x1] =	wrdreg $0xFFFFFFFF  }
0xa7: {  	s28 =	simm.s32 $_size_execute0_lowered;
	s3 =	sadd.s32 s3, s5;
	[dreg:$0x0] =	wrdreg $0x0  }
0xa8: {  	s5 =	sshll.u32 s28, $0x1;
	[dreg:$0x2] =	wrdreg s3  }
0xa9: {  	[dreg:$0x3] =	wrdreg s5  }
0xaa: {  	[dreg:$0x4] =	wrdreg $0xC0  }
0xab: {  	_ =	task [dreg:s7], $0x5FFFF  }
0xac: {  	[dreg:$0x1] =	wrdreg $0xFFFFFFFF  }
0xad: {  	[dreg:$0x0] =	wrdreg $0x60  }
0xae: {  	[dreg:$0x2] =	wrdreg s24  }
0xaf: {  	[dreg:$0x3] =	wrdreg s2  }
0xb0: {  	[dreg:$0x4] =	wrdreg $0x9  }
0xb1: {  	_ =	task.clear_ibuf [dreg:s7], $0x5FFFF;
	_ =	strace $0x90000049  }
0xb2: {  	s29 =	simm.s32 $0x9;
	_ =	strace $0x8000004B  }
0xb3: {  	_ =	swait.ge [sflag:s29], $0x1  }
0xb4: {  	[sflag:s29] =	ssyncadd.s32 $0xFFFFFFFF  }
0xb5: {  	_ =	strace $0x9000004B  }
0xb6: {  	_ =	sfence  }
0xb7: {  	s30 =	sld [smem:$0x0];
	_ =	sdelay $0x2  }
0xb8: {  	s31 =	sshll.u32 s1, $0xD;
	s1 =	sshrl.u32 s1, $0x2  }
0xb9: {  	s3 =	sand.u32 $0x4000, s31;
	s1 =	sadd.s32 s1, s30  }
0xba: {  	s0 =	sor.u32 s3, s0;
	s1 =	sshll.u32 s1, $0x11  }
0xbb: {  	s0 =	sor.u32 s1, s0  }
0xbc: {  	s0 =	sadd.s32 $0x8F2B, s0  }
0xbd: {  	[sflag:s0] =	ssyncadd.remote.s32 $0x1  }
0xbe: {  	_ =	sfence.sel $0xFFFF  }
0xbf: {  	[dreg:$0x0] =	wrdreg $0xFFFFFFFF;
	(pc) =	sbr.abs _section_cstart, $3  }
0xc0: {  	[dreg:$0x1] =	wrdreg $0xFFFFFFFF  }
0xc1: {  	_ =	task.clear_ibuf [dreg:s7], $0x2FFFF;
	_ =	strace $0x9FFFFFFF  }
0xc2: {  	(tm) =	ssettm $0x7FFFFFFF  }
0xc3: {  	_ =	shalt  }
tec
execute0_lowered:
.L_overlay_start_1:
0x0: {  	(tag) =	ssettag $0x1  }
0x1: {  	s0 =	rddreg [dreg:$0x0]  }
0x2: {  	s1 =	rddreg [dreg:$0x1];
	s2 =	simm.s32 $0x0  }
0x3: {  	s7 =	stileid.u32;
	s3 =	srdreg.scid;
	s24 =	simm.s32 $0x900  }
0x4: {  	s25 =	simm.s32 $0x1100;
	s26 =	simm.s32 $0x1900;
	s11 =	simm.s32 $0x3900  }
0x5: {  	s12 =	simm.s32 $0x4100;
	s13 =	simm.s32 $0x4900;
	s14 =	simm.s32 $0x5100  }
0x6: {  	s15 =	simm.s32 $0x5900;
	s16 =	simm.s32 $0x6100;
	s17 =	simm.s32 $0x6900  }
0x7: {  	s18 =	simm.s32 $0x7100;
	s19 =	simm.s32 $0x7900;
	s20 =	simm.s32 $0x8100  }
0x8: {  	s28 =	simm.s32 $0xB900;
	s29 =	simm.s32 $0xC100;
	s30 =	simm.s32 $0x1  }
0x9: {  	s31 =	simm.s32 $0x0;
	[smem:$0x7FF] =	sst s2;
	s5 =	smul.u32 $0x1900, s7  }
0xa: {  	s4 =	sand.u32 $0x1, s3;
	s3 =	sadd.s32 $0xB400, s0;
	s7 =	smul.u32 $0x32000, s7  }
0xb: {  	_ =	strace $0x8000004A;
	s6 =	smul.u32 $0xC80, s4;
	[dreg:$0x4] =	wrdreg s24  }
0xc: {  	s8 =	ssub.s32 $0x2, s4;
	s10 =	smul.u32 $0x19000, s4;
	[dreg:$0x5] =	wrdreg s25  }
0xd: {  	[dreg:$0x6] =	wrdreg s26;
	s24 =	simm.s32 $0xA100;
	s25 =	simm.s32 $0xA900  }
0xe: {  	s26 =	simm.s32 $0xB100;
	s9 =	sshrl.u32 s8, $0x1;
	s0 =	sadd.s32 s7, s0  }
0xf: {  	s7 =	simm.s32 $0x100;
	s21 =	sadd.s32 s6, s5;
	s22 =	ssub.s32 s8, s9  }
0x10: {  	s0 =	sadd.s32 s10, s0;
	s8 =	simm.s32 $0x2100;
	s9 =	simm.s32 $0x2900  }
0x11: {  	s10 =	simm.s32 $0x3100;
	s6 =	sshrl.u32 s21, $0x3;
	s23 =	smax.u32 s22, $0x1  }
0x12: {  	v2 =	vlaneseq.u32;
	s0 =	sadd.s32 $0x4DC400, s0;
	s21 =	simm.s32 $0x8900;
	[dreg:$0x7] =	wrdreg s23  }
0x13: {  	vm0 =	vmmov $0xffff;
	v1 =	vshrl.u32 v2, $0x3;
	s22 =	simm.s32 $0x9100;
	s1 =	sadd.s32 s6, s1;
	[dreg:$0x8] =	wrdreg s0  }
0x14: {  	v0 =	vand.u32 $0x7, v2;
	v2 =	vor.u32 $0x8, v2;
	v1 =	vmul.u32 $0x8, v1;
	s6 =	simm.s32 $0x2;
	s23 =	simm.s32 $0x9900;
	[dreg:$0x3] =	wrdreg s1  }
.LBB2_1:
0x15: {  	s5 =	rddreg [dreg:$0x8];
	s1 =	simm.s32 $0x0  }
.LBB2_2:
0x16: {  	s4 =	rddreg [dreg:$0x3]  }
0x17: {  	s4 =	sadd.s32 s1, s4  }
0x18: {  	[tilespmem:s2], [sflag:$0x2] =	stream.linear.gather [hbm4b:s4+s2], $0xC8, $0x38;
	[tilespmem:$0xC900] =	vst v63  }
0x19: {  	_ =	swait.ge [sflag:s6], $0xC8  }
0x1a: {  	[sflag:s6] =	ssyncset.done $0x0  }
0x1b: {  	[sflag:s6] =	ssyncadd.s32 $0xFFFFFF38  }
0x1c: {  	v3 =	vld [tilespmem:$0x0];
	_ =	sdelay $0x4  }
0x1d: {  	v4 =	vshll.u32 v3, $0x1  }
0x1e: {  	v3 =	vand.u32 $0x7, v3;
	v4 =	vand.u32 $0xFFFFFFF0, v4  }
0x1f: {  	v3 =	vor.u32 v3, v4  }
0x20: {  	v4 =	vperm.xlane v3, v0;
	_ =	sdelay $0x1  }
0x21: {  	v3 =	vperm.xlane v3, v2;
	v4 =	vadd.s32 v1, v4;
	_ =	sdelay $0x1  }
0x22: {  	v3 =	vadd.s32 v1, v3;
	_ =	sdelay $0x2  }
0x23: {  	[tilespmem:s7], [sflag:$0x1] =	stream.indirect_vreg.gather [hbm4b:s3+s2], $0x80, v4, vm0, $0xb8;
	[tilespmem:$0xC900] =	vst v63  }
0x24: {  	s0 =	rddreg [dreg:$0x4]  }
0x25: {  	[tilespmem:s0], [sflag:$0x1] =	stream.indirect_vreg.gather [hbm4b:s3+s2], $0x80, v3, vm0, $0xb8;
	[tilespmem:$0xC900] =	vst v63  }
0x26: {  	v3 =	vld [tilespmem:$0x10];
	_ =	sdelay $0x4  }
0x27: {  	v52 =	vshll.u32 v3, $0x1  }
0x28: {  	v3 =	vand.u32 $0x7, v3;
	v4 =	vand.u32 $0xFFFFFFF0, v52  }
0x29: {  	v3 =	vor.u32 v3, v4  }
0x2a: {  	v4 =	vperm.xlane v3, v0;
	_ =	sdelay $0x1  }
0x2b: {  	v3 =	vperm.xlane v3, v2;
	v4 =	vadd.s32 v1, v4;
	_ =	sdelay $0x1  }
0x2c: {  	v3 =	vadd.s32 v1, v3;
	_ =	sdelay $0x1  }
0x2d: {  	s4 =	rddreg [dreg:$0x5]  }
0x2e: {  	[tilespmem:s4], [sflag:$0x1] =	stream.indirect_vreg.gather [hbm4b:s3+s2], $0x80, v4, vm0, $0xb8;
	[tilespmem:$0xC900] =	vst v63  }
0x2f: {  	s0 =	rddreg [dreg:$0x6]  }
0x30: {  	[tilespmem:s0], [sflag:$0x1] =	stream.indirect_vreg.gather [hbm4b:s3+s2], $0x80, v3, vm0, $0xb8;
	[tilespmem:$0xC900] =	vst v63  }
0x31: {  	v3 =	vld [tilespmem:$0x20];
	_ =	sdelay $0x4  }
0x32: {  	v53 =	vshll.u32 v3, $0x1  }
0x33: {  	v3 =	vand.u32 $0x7, v3;
	v4 =	vand.u32 $0xFFFFFFF0, v53  }
0x34: {  	v3 =	vor.u32 v3, v4  }
0x35: {  	v4 =	vperm.xlane v3, v0;
	_ =	sdelay $0x1  }
0x36: {  	v3 =	vperm.xlane v3, v2;
	v4 =	vadd.s32 v1, v4;
	_ =	sdelay $0x1  }
0x37: {  	v3 =	vadd.s32 v1, v3;
	_ =	sdelay $0x2  }
0x38: {  	[tilespmem:s8], [sflag:$0x1] =	stream.indirect_vreg.gather [hbm4b:s3+s2], $0x80, v4, vm0, $0xb8;
	[tilespmem:$0xC900] =	vst v63  }
0x39: {  	_ = 	snop  }
0x3a: {  	[tilespmem:s9], [sflag:$0x1] =	stream.indirect_vreg.gather [hbm4b:s3+s2], $0x80, v3, vm0, $0xb8;
	[tilespmem:$0xC900] =	vst v63  }
0x3b: {  	v3 =	vld [tilespmem:$0x30];
	_ =	sdelay $0x4  }
0x3c: {  	v54 =	vshll.u32 v3, $0x1  }
0x3d: {  	v3 =	vand.u32 $0x7, v3;
	v4 =	vand.u32 $0xFFFFFFF0, v54  }
0x3e: {  	v3 =	vor.u32 v3, v4  }
0x3f: {  	v4 =	vperm.xlane v3, v0;
	_ =	sdelay $0x1  }
0x40: {  	v3 =	vperm.xlane v3, v2;
	v4 =	vadd.s32 v1, v4;
	_ =	sdelay $0x1  }
0x41: {  	v3 =	vadd.s32 v1, v3;
	_ =	sdelay $0x2  }
0x42: {  	[tilespmem:s10], [sflag:$0x1] =	stream.indirect_vreg.gather [hbm4b:s3+s2], $0x80, v4, vm0, $0xb8;
	[tilespmem:$0xC900] =	vst v63  }
0x43: {  	_ = 	snop  }
0x44: {  	[tilespmem:s11], [sflag:$0x1] =	stream.indirect_vreg.gather [hbm4b:s3+s2], $0x80, v3, vm0, $0xb8;
	[tilespmem:$0xC900] =	vst v63  }
0x45: {  	v3 =	vld [tilespmem:$0x40];
	_ =	sdelay $0x4  }
0x46: {  	v55 =	vshll.u32 v3, $0x1  }
0x47: {  	v3 =	vand.u32 $0x7, v3;
	v4 =	vand.u32 $0xFFFFFFF0, v55  }
0x48: {  	v3 =	vor.u32 v3, v4  }
0x49: {  	v4 =	vperm.xlane v3, v0;
	_ =	sdelay $0x1  }
0x4a: {  	v3 =	vperm.xlane v3, v2;
	v4 =	vadd.s32 v1, v4;
	_ =	sdelay $0x1  }
0x4b: {  	v3 =	vadd.s32 v1, v3;
	_ =	sdelay $0x2  }
0x4c: {  	[tilespmem:s12], [sflag:$0x1] =	stream.indirect_vreg.gather [hbm4b:s3+s2], $0x80, v4, vm0, $0xb8;
	[tilespmem:$0xC900] =	vst v63  }
0x4d: {  	_ = 	snop  }
0x4e: {  	[tilespmem:s13], [sflag:$0x1] =	stream.indirect_vreg.gather [hbm4b:s3+s2], $0x80, v3, vm0, $0xb8;
	[tilespmem:$0xC900] =	vst v63  }
0x4f: {  	v3 =	vld [tilespmem:$0x50];
	_ =	sdelay $0x4  }
0x50: {  	v56 =	vshll.u32 v3, $0x1  }
0x51: {  	v3 =	vand.u32 $0x7, v3;
	v4 =	vand.u32 $0xFFFFFFF0, v56  }
0x52: {  	v3 =	vor.u32 v3, v4  }
0x53: {  	v4 =	vperm.xlane v3, v0;
	_ =	sdelay $0x1  }
0x54: {  	v3 =	vperm.xlane v3, v2;
	v4 =	vadd.s32 v1, v4;
	_ =	sdelay $0x1  }
0x55: {  	v3 =	vadd.s32 v1, v3;
	_ =	sdelay $0x2  }
0x56: {  	[tilespmem:s14], [sflag:$0x1] =	stream.indirect_vreg.gather [hbm4b:s3+s2], $0x80, v4, vm0, $0xb8;
	[tilespmem:$0xC900] =	vst v63  }
0x57: {  	_ = 	snop  }
0x58: {  	[tilespmem:s15], [sflag:$0x1] =	stream.indirect_vreg.gather [hbm4b:s3+s2], $0x80, v3, vm0, $0xb8;
	[tilespmem:$0xC900] =	vst v63  }
0x59: {  	v3 =	vld [tilespmem:$0x60];
	_ =	sdelay $0x4  }
0x5a: {  	v57 =	vshll.u32 v3, $0x1  }
0x5b: {  	v3 =	vand.u32 $0x7, v3;
	v4 =	vand.u32 $0xFFFFFFF0, v57  }
0x5c: {  	v3 =	vor.u32 v3, v4  }
0x5d: {  	v4 =	vperm.xlane v3, v0;
	_ =	sdelay $0x1  }
0x5e: {  	v3 =	vperm.xlane v3, v2;
	v4 =	vadd.s32 v1, v4;
	_ =	sdelay $0x1  }
0x5f: {  	v3 =	vadd.s32 v1, v3;
	_ =	sdelay $0x2  }
0x60: {  	[tilespmem:s16], [sflag:$0x1] =	stream.indirect_vreg.gather [hbm4b:s3+s2], $0x80, v4, vm0, $0xb8;
	[tilespmem:$0xC900] =	vst v63  }
0x61: {  	_ = 	snop  }
0x62: {  	[tilespmem:s17], [sflag:$0x1] =	stream.indirect_vreg.gather [hbm4b:s3+s2], $0x80, v3, vm0, $0xb8;
	[tilespmem:$0xC900] =	vst v63  }
0x63: {  	v3 =	vld [tilespmem:$0x70];
	_ =	sdelay $0x4  }
0x64: {  	v58 =	vshll.u32 v3, $0x1  }
0x65: {  	v3 =	vand.u32 $0x7, v3;
	v4 =	vand.u32 $0xFFFFFFF0, v58  }
0x66: {  	v3 =	vor.u32 v3, v4  }
0x67: {  	v4 =	vperm.xlane v3, v0;
	_ =	sdelay $0x1  }
0x68: {  	v3 =	vperm.xlane v3, v2;
	v4 =	vadd.s32 v1, v4;
	_ =	sdelay $0x1  }
0x69: {  	v3 =	vadd.s32 v1, v3;
	_ =	sdelay $0x2  }
0x6a: {  	[tilespmem:s18], [sflag:$0x1] =	stream.indirect_vreg.gather [hbm4b:s3+s2], $0x80, v4, vm0, $0xb8;
	[tilespmem:$0xC900] =	vst v63  }
0x6b: {  	_ = 	snop  }
0x6c: {  	[tilespmem:s19], [sflag:$0x1] =	stream.indirect_vreg.gather [hbm4b:s3+s2], $0x80, v3, vm0, $0xb8;
	[tilespmem:$0xC900] =	vst v63  }
0x6d: {  	v3 =	vld [tilespmem:$0x80];
	_ =	sdelay $0x4  }
0x6e: {  	v59 =	vshll.u32 v3, $0x1  }
0x6f: {  	v3 =	vand.u32 $0x7, v3;
	v4 =	vand.u32 $0xFFFFFFF0, v59  }
0x70: {  	v3 =	vor.u32 v3, v4  }
0x71: {  	v4 =	vperm.xlane v3, v0;
	_ =	sdelay $0x1  }
0x72: {  	v3 =	vperm.xlane v3, v2;
	v4 =	vadd.s32 v1, v4;
	_ =	sdelay $0x1  }
0x73: {  	v3 =	vadd.s32 v1, v3;
	_ =	sdelay $0x2  }
0x74: {  	[tilespmem:s20], [sflag:$0x1] =	stream.indirect_vreg.gather [hbm4b:s3+s2], $0x80, v4, vm0, $0xb8;
	[tilespmem:$0xC900] =	vst v63  }
0x75: {  	_ = 	snop  }
0x76: {  	[tilespmem:s21], [sflag:$0x1] =	stream.indirect_vreg.gather [hbm4b:s3+s2], $0x80, v3, vm0, $0xb8;
	[tilespmem:$0xC900] =	vst v63  }
0x77: {  	v3 =	vld [tilespmem:$0x90];
	_ =	sdelay $0x4  }
0x78: {  	v60 =	vshll.u32 v3, $0x1  }
0x79: {  	v3 =	vand.u32 $0x7, v3;
	v4 =	vand.u32 $0xFFFFFFF0, v60  }
0x7a: {  	v3 =	vor.u32 v3, v4  }
0x7b: {  	v4 =	vperm.xlane v3, v0;
	_ =	sdelay $0x1  }
0x7c: {  	v3 =	vperm.xlane v3, v2;
	v4 =	vadd.s32 v1, v4;
	_ =	sdelay $0x1  }
0x7d: {  	v3 =	vadd.s32 v1, v3;
	_ =	sdelay $0x2  }
0x7e: {  	[tilespmem:s22], [sflag:$0x1] =	stream.indirect_vreg.gather [hbm4b:s3+s2], $0x80, v4, vm0, $0xb8;
	[tilespmem:$0xC900] =	vst v63  }
0x7f: {  	_ = 	snop  }
0x80: {  	[tilespmem:s23], [sflag:$0x1] =	stream.indirect_vreg.gather [hbm4b:s3+s2], $0x80, v3, vm0, $0xb8;
	[tilespmem:$0xC900] =	vst v63  }
0x81: {  	v3 =	vld [tilespmem:$0xA0];
	_ =	sdelay $0x4  }
0x82: {  	v61 =	vshll.u32 v3, $0x1  }
0x83: {  	v3 =	vand.u32 $0x7, v3;
	v4 =	vand.u32 $0xFFFFFFF0, v61  }
0x84: {  	v3 =	vor.u32 v3, v4  }
0x85: {  	v4 =	vperm.xlane v3, v0;
	_ =	sdelay $0x1  }
0x86: {  	v3 =	vperm.xlane v3, v2;
	v4 =	vadd.s32 v1, v4;
	_ =	sdelay $0x1  }
0x87: {  	v3 =	vadd.s32 v1, v3;
	_ =	sdelay $0x2  }
0x88: {  	[tilespmem:s24], [sflag:$0x1] =	stream.indirect_vreg.gather [hbm4b:s3+s2], $0x80, v4, vm0, $0xb8;
	[tilespmem:$0xC900] =	vst v63  }
0x89: {  	_ = 	snop  }
0x8a: {  	[tilespmem:s25], [sflag:$0x1] =	stream.indirect_vreg.gather [hbm4b:s3+s2], $0x80, v3, vm0, $0xb8;
	[tilespmem:$0xC900] =	vst v63  }
0x8b: {  	v3 =	vld [tilespmem:$0xB0];
	_ =	sdelay $0x4  }
0x8c: {  	v62 =	vshll.u32 v3, $0x1  }
0x8d: {  	v3 =	vand.u32 $0x7, v3;
	v4 =	vand.u32 $0xFFFFFFF0, v62  }
0x8e: {  	v3 =	vor.u32 v3, v4  }
0x8f: {  	v4 =	vperm.xlane v3, v0;
	_ =	sdelay $0x1  }
0x90: {  	v3 =	vperm.xlane v3, v2;
	v4 =	vadd.s32 v1, v4;
	_ =	sdelay $0x1  }
0x91: {  	v3 =	vadd.s32 v1, v3;
	_ =	sdelay $0x2  }
0x92: {  	[tilespmem:s26], [sflag:$0x1] =	stream.indirect_vreg.gather [hbm4b:s3+s2], $0x80, v4, vm0, $0xb8;
	[tilespmem:$0xC900] =	vst v63  }
0x93: {  	_ = 	snop  }
0x94: {  	[tilespmem:s28], [sflag:$0x1] =	stream.indirect_vreg.gather [hbm4b:s3+s2], $0x80, v3, vm0, $0xb8;
	[tilespmem:$0xC900] =	vst v63  }
0x95: {  	v3 =	vld.msk [tilespmem:$0xC0], $0xff;
	_ =	sdelay $0x4  }
0x96: {  	v63 =	vshll.u32 v3, $0x1  }
0x97: {  	v3 =	vand.u32 $0x7, v3;
	v4 =	vand.u32 $0xFFFFFFF0, v63  }
0x98: {  	v3 =	vor.u32 v3, v4  }
0x99: {  	v3 =	vperm.xlane v3, v0;
	_ =	sdelay $0x1  }
0x9a: {  	v3 =	vadd.s32 v1, v3;
	_ =	sdelay $0x4  }
0x9b: {  	[tilespmem:s29], [sflag:$0x1] =	stream.indirect_vreg.gather [hbm4b:s3+s2], $0x80, v3, vm0, $0xb8;
	[tilespmem:$0xC900] =	vst v63  }
0x9c: {  	_ =	swait.ge [sflag:s30], $0xC800  }
0x9d: {  	p0 =	sne.s32 s1, $0x177;
	[sflag:s30] =	ssyncset.done $0x0  }
.Ltmp0:
0x9e: {  	[sflag:s30] =	ssyncadd.s32 $0xFFFF3800;
	(pc) =	sbr.rel @p0 .LBB2_2-.Ltmp0, $4  }
0x9f: {  	[hbm4b:s5+s2] =	stream.linear.scatter [tilespmem:s7], [sflag:$0x2], $0xC800, $0x38;
	[tilespmem:$0xC900] =	vst v63  }
0xa0: {  	_ =	swait.ge [sflag:s6], $0xC800  }
0xa1: {  	[sflag:s6] =	ssyncset.done $0x0  }
0xa2: {  	s1 =	sadd.s32 $0x19, s1;
	s5 =	sadd.s32 $0x1900, s5;
	[sflag:s6] =	ssyncadd.s32 $0xFFFF3800  }
0xa3: {  	s31 =	sadd.s32 $0x1, s31;
	s0 =	rddreg [dreg:$0x7]  }
0xa4: {  	p0 =	sne.s32 s31, s0  }
.Ltmp1:
0xa5: {  	_ = 	snop;
	(pc) =	sbr.rel @p0 .LBB2_1-.Ltmp1, $1  }
0xa6: {  	_ =	sdelay $0x3  }
0xa7: {  	_ =	sfence.sel $0x180000  }
0xa8: {  	[bflag:$0x0] =	sbarrier.arrive $0xFFFF  }
0xa9: {  	_ =	strace $0x9000004A  }
0xaa: {  	s0 =	stileid.u32;
	[bflag:$0x2] =	sbarrier.arrive $0xFFFF  }
0xab: {  	p0 =	sne.s32 s0, $0x0;
	s0 =	rddreg [dreg:$0x2]  }
0xac: {  	s0 =	sadd.s32 @!p0 $0x100000, s0  }
0xad: {  	[sflag:s0] =	ssyncadd.tile.s32 @!p0 $0x1;
	_ =	shalt  }
.Lfunc_end2:
_tile_overlayer_lowered:
.L_overlay_start_2:
0xae: {  	(tag) =	ssettag $0x2  }
0xaf: {  	s0 =	rddreg [dreg:$0x0];
	s2 =	stileid.u32  }
0xb0: {  	s1 =	rddreg [dreg:$0x1];
	p0 =	sne.s32 s2, $0x0  }
0xb1: {  	s3 =	rddreg [dreg:$0x2];
	[bflag:$0x3] =	sbarrier.arrive $0xFFFF;
	s2 =	simm.s32 @!p0 $0x1C02  }
0xb2: {  	[timem:s3], [sflag:s2] =	dma.local @!p0 [hbm:s0], s1  }
0xb3: {  	s0 =	simm.s32 @!p0 $0x2  }
0xb4: {  	_ =	swait.ge @!p0 [sflag:s0], s1  }
0xb5: {  	s1 =	ssub.s32 @!p0 $0x0, s1;
	[sflag:s0] =	ssyncset.done @!p0 $0x0  }
0xb6: {  	[sflag:s0] =	ssyncadd.s32 @!p0 s1  }
0xb7: {  	[bflag:$0x3] =	sbarrier.arrive $0xFFFF  }
0xb8: {  	_ =	shalt  }

// kernel: kernel.8.cloned.1.call-start
scs
__scs_entry_jumppad:
0x0: {  	(pc) =	sbr.rel $0x88, $3  }
0x1: {  	(tag) =	ssettag $0x0;
	lr =	simm.s32 $0x1  }
0x2: {  	[smem:$0x3F95] =	sst lr;
	_ =	strace $0xD0000000  }
0x3: {  	_ = 	snop  }
0x4: {  	_ = 	snop  }
0x5: {  	_ = 	snop  }
0x6: {  	_ = 	snop  }
0x7: {  	_ = 	snop  }
__scs_overlays_trampoline_lowered:
0x8: {  	[smem:$0x3FA4] =	sst s0  }
0x9: {  	[smem:$0x3FA5] =	sst s1  }
0xa: {  	[smem:$0x3FA6] =	sst s2  }
0xb: {  	[smem:$0x3FA7] =	sst s3  }
0xc: {  	[smem:$0x3FA8] =	sst s4  }
0xd: {  	[smem:$0x3FA9] =	sst s5  }
0xe: {  	[smem:$0x3FAA] =	sst s6  }
0xf: {  	[smem:$0x3FAB] =	sst s7  }
0x10: {  	[smem:$0x3FAC] =	sst s8  }
0x11: {  	[smem:$0x3FAD] =	sst s9;
	s0 =	simm.s32 @!p0 $0x0  }
0x12: {  	s1 =	sld [smem:$0x3F93];
	s0 =	simm.s32 @p0 $0x1  }
0x13: {  	[smem:$0x3FAE] =	sst s0;
	s0 =	simm.s32 @!p1 $0x0  }
0x14: {  	s2 =	sld [smem:$0x3F92];
	s0 =	simm.s32 @p1 $0x1  }
0x15: {  	[smem:$0x3FAF] =	sst s0;
	s0 =	simm.s32 @!p2 $0x0  }
0x16: {  	s3 =	sld [smem:$0x3FDB];
	s0 =	simm.s32 @p2 $0x1  }
0x17: {  	s4 =	simm.s32 $0x1BF5;
	[smem:$0x3FB1] =	sst s0  }
0x18: {  	s0 =	sld [smem:$0x3F94];
	_ =	swait.ge [sflag:s4], $0x0  }
0x19: {  	s7 =	sld [smem:$0x3F95]  }
0x1a: {  	s8 =	sadd.s32 $0xFFFFE003, lr  }
0x1b: {  	s9 =	sadd.s32 $0xFFFFFEF7, lr;
	s5 =	simm.s32 $0xFFFFFFFF;
	p2 =	slt.u32 s8, $0xFFFFF086  }
0x1c: {  	p1 =	slt.u32 s9, $0xF7A;
	s5 =	simm.s32 @!p2 $0x0  }
0x1d: {  	s5 =	simm.s32 @p1 $0x1;
	p0 =	seq.s32 s7, s2  }
0x1e: {  	s7 =	smul.u32 @!p0 $0xF7A, s2;
	p2 =	seq.s32 @!p0 s5, $0x0  }
0x1f: {  	s9 =	smul.u32 $0xF7A, s1;
	s8 =	simm.s32 @!p0 $0x1BF5;
	p2 =	por !p2, p0  }
0x20: {  	[sflag:s8] =	ssyncset.s32 @!p0 $0xFFFFF086;
	s6 =	sadd.s32 @!p0 s3, s7;
	s7 =	simm.s32 @!p0 $0x108  }
0x21: {  	s3 =	sadd.s32 s3, s9;
	s6 =	sadd.s32 @!p0 $0x88, s6;
	s7 =	simm.s32 @p2 $0x1082  }
0x22: {  	[simem:s7], [sflag:s8] =	dma.local @!p0 [hbm:s6], $0xF7A  }
0x23: {  	s9 =	sor.u32 $0xD0000000, s2;
	s6 =	simm.s32 $0x108;
	_ =	swait.ge @!p0 [sflag:s8], $0x0  }
0x24: {  	s3 =	sadd.s32 $0x88, s3;
	s6 =	simm.s32 @!p1 $0x1082;
	[sflag:s4] =	ssyncset.s32 $0xFFFFF086  }
0x25: {  	[simem:s6], [sflag:s4] =	dma.local [hbm:s3], $0xF7A  }
0x26: {  	[smem:$0x3F95] =	sst s1;
	(tag) =	ssettag s2;
	_ =	strace s9  }
0x27: {  	s1 =	sld [smem:$0x3FA5]  }
0x28: {  	s2 =	sld [smem:$0x3FA6]  }
0x29: {  	s4 =	sld [smem:$0x3FA8]  }
0x2a: {  	p0 =	seq.s32 s5, $0x0;
	s5 =	sld [smem:$0x3FA9]  }
0x2b: {  	s6 =	sld [smem:$0x3FAA]  }
0x2c: {  	s7 =	sld [smem:$0x3FAB]  }
0x2d: {  	s3 =	simm.s32 $0x108;
	s8 =	sld [smem:$0x3FAC]  }
0x2e: {  	s3 =	simm.s32 @!p0 $0x1082;
	s9 =	sld [smem:$0x3FAD]  }
0x2f: {  	lr =	sadd.s32 s0, s3;
	s0 =	sld [smem:$0x3FA4]  }
0x30: {  	s3 =	sld [smem:$0x3FA7]  }
0x31: {  	[smem:$0x3FB0] =	sst s10  }
0x32: {  	s10 =	sld [smem:$0x3FAE];
	_ =	sdelay $0x3  }
0x33: {  	p0 =	seq.s32 s10, $0x1;
	s10 =	sld [smem:$0x3FB0];
	_ =	sdelay $0x3  }
0x34: {  	[smem:$0x3FB0] =	sst s10  }
0x35: {  	s10 =	sld [smem:$0x3FAF];
	_ =	sdelay $0x3  }
0x36: {  	p1 =	seq.s32 s10, $0x1;
	s10 =	sld [smem:$0x3FB0];
	_ =	sdelay $0x3  }
0x37: {  	[smem:$0x3FB0] =	sst s10  }
0x38: {  	s10 =	sld [smem:$0x3FB1]  }
0x39: {  	_ = 	snop;
	(pc) =	sbr.ind lr, $3  }
0x3a: {  	_ = 	snop  }
0x3b: {  	_ = 	snop  }
0x3c: {  	p2 =	seq.s32 s10, $0x1;
	s10 =	sld [smem:$0x3FB0]  }
0x3d: {  	_ =	shalt  }
0x3e: {  	_ =	shalt  }
0x3f: {  	_ =	shalt  }
0x40: {  	_ =	shalt  }
0x41: {  	_ =	shalt  }
0x42: {  	_ =	shalt  }
0x43: {  	_ =	shalt  }
0x44: {  	_ =	shalt  }
0x45: {  	_ =	shalt  }
0x46: {  	_ =	shalt  }
0x47: {  	_ =	shalt  }
0x48: {  	_ =	shalt  }
0x49: {  	_ =	shalt  }
0x4a: {  	_ =	shalt  }
0x4b: {  	_ =	shalt  }
0x4c: {  	_ =	shalt  }
0x4d: {  	_ =	shalt  }
0x4e: {  	_ =	shalt  }
0x4f: {  	_ =	shalt  }
0x50: {  	_ =	shalt  }
0x51: {  	_ =	shalt  }
0x52: {  	_ =	shalt  }
0x53: {  	_ =	shalt  }
0x54: {  	_ =	shalt  }
0x55: {  	_ =	shalt  }
0x56: {  	_ =	shalt  }
0x57: {  	_ =	shalt  }
0x58: {  	_ =	shalt  }
0x59: {  	_ =	shalt  }
0x5a: {  	_ =	shalt  }
0x5b: {  	_ =	shalt  }
0x5c: {  	_ =	shalt  }
0x5d: {  	_ =	shalt  }
0x5e: {  	_ =	shalt  }
0x5f: {  	_ =	shalt  }
0x60: {  	_ =	shalt  }
0x61: {  	_ =	shalt  }
0x62: {  	_ =	shalt  }
0x63: {  	_ =	shalt  }
0x64: {  	_ =	shalt  }
0x65: {  	_ =	shalt  }
0x66: {  	_ =	shalt  }
0x67: {  	_ =	shalt  }
0x68: {  	_ =	shalt  }
0x69: {  	_ =	shalt  }
0x6a: {  	_ =	shalt  }
0x6b: {  	_ =	shalt  }
0x6c: {  	_ =	shalt  }
0x6d: {  	_ =	shalt  }
0x6e: {  	_ =	shalt  }
0x6f: {  	_ =	shalt  }
0x70: {  	_ =	shalt  }
0x71: {  	_ =	shalt  }
0x72: {  	_ =	shalt  }
0x73: {  	_ =	shalt  }
0x74: {  	_ =	shalt  }
0x75: {  	_ =	shalt  }
0x76: {  	_ =	shalt  }
0x77: {  	_ =	shalt  }
0x78: {  	_ =	shalt  }
0x79: {  	_ =	shalt  }
0x7a: {  	_ =	shalt  }
0x7b: {  	_ =	shalt  }
0x7c: {  	_ =	shalt  }
0x7d: {  	_ =	shalt  }
0x7e: {  	_ =	shalt  }
0x7f: {  	_ =	shalt  }
0x80: {  	_ =	shalt  }
0x81: {  	_ =	shalt  }
0x82: {  	_ =	shalt  }
0x83: {  	_ =	shalt  }
0x84: {  	_ =	shalt  }
0x85: {  	_ =	shalt  }
0x86: {  	_ =	shalt  }
0x87: {  	_ =	shalt  }
.Lfunc_end0:
.L_simem_size_0:
called_computation_lowered:
.L_overlay_start_0:
0x88: {  	s2 =	sld [smem:$0x3FD9]  }
0x89: {  	s3 =	sld [smem:$0x3FFE];
	_ =	sdelay $0x1  }
0x8a: {  	s1 =	srdreg.scid  }
0x8b: {  	s0 =	sand.u32 $0x1, s1  }
0x8c: {  	s17 =	sshll.u32 s0, $0xA;
	s2 =	sadd.s32 s3, s2  }
0x8d: {  	s2 =	sadd.s32 s2, s17  }
0x8e: {  	[smem:$0x3FBC] =	sst s2  }
0x8f: {  	_ = 	snop  }
0x90: {  	s2 =	sld [smem:$0x3FC9]  }
0x91: {  	s18 =	sld [smem:$0x3FD0];
	(tm) =	ssettm $0x1  }
0x92: {  	s4 =	sld [smem:$0x3FFB];
	_ =	sdelay $0x3  }
0x93: {  	_ =	strace s4  }
0x94: {  	s4 =	sld [smem:$0x3FFC];
	_ =	sdelay $0x3  }
0x95: {  	_ =	strace s4  }
0x96: {  	s4 =	sld [smem:$0x3FFD];
	_ =	sdelay $0x3  }
0x97: {  	_ =	strace s4  }
0x98: {  	_ =	strace $0x8FFFFFFF  }
0x99: {  	s19 =	sld [smem:$0x3FDB];
	_ =	sdelay $0x1  }
0x9a: {  	s5 =	simm.s32 $_scs_section_size  }
0x9b: {  	s6 =	simm.s32 $_size__tile_overlayer_lowered;
	s7 =	simm.s32 $_tile_overlayer_lowered  }
0x9c: {  	s22 =	simm.s32 $0x1BFF;
	s21 =	sshll.u32 s7, $0x1;
	s4 =	sadd.s32 s5, s19  }
0x9d: {  	s8 =	simm.s32 $0x0;
	s20 =	sshll.u32 s6, $0x1;
	s6 =	sadd.s32 s21, s4  }
0x9e: {  	[timem:s8], [sflag:s22] =	dma.local [hbm:s6], s20  }
0x9f: {  	_ =	swait.ge [sflag:s22], s20  }
0xa0: {  	s5 =	ssub.s32 $0x0, s20;
	[sflag:s22] =	ssyncset.done $0x0  }
0xa1: {  	[sflag:s22] =	ssyncadd.s32 s5;
	_ =	sdelay $0x1  }
0xa2: {  	s23 =	simm.s32 $0x1B8B  }
0xa3: {  	_ =	swait.ge [sflag:s23], $0x1  }
0xa4: {  	[sflag:s23] =	ssyncset.done $0x0  }
0xa5: {  	s25 =	simm.s32 $0x1B8E;
	s24 =	sld [smem:$0x3FFE];
	[sflag:s23] =	ssyncadd.s32 $0xFFFFFFFF  }
0xa6: {  	s26 =	simm.s32 $execute0_lowered;
	[smem:$0x3FD2] =	sst s25  }
0xa7: {  	s6 =	sshll.u32 s26, $0x1;
	_ =	strace $0x80000046;
	[dreg:$0x1] =	wrdreg $0xFFFFFFFF  }
0xa8: {  	s28 =	simm.s32 $_size_execute0_lowered;
	s4 =	sadd.s32 s4, s6;
	[dreg:$0x0] =	wrdreg $0x0  }
0xa9: {  	s6 =	sshll.u32 s28, $0x1;
	[dreg:$0x2] =	wrdreg s4  }
0xaa: {  	[dreg:$0x3] =	wrdreg s6  }
0xab: {  	[dreg:$0x4] =	wrdreg $0xC0  }
0xac: {  	_ =	task [dreg:s8], $0x5FFFF  }
0xad: {  	[dreg:$0x1] =	wrdreg $0xFFFFFFFF  }
0xae: {  	[dreg:$0x0] =	wrdreg $0x60  }
0xaf: {  	[dreg:$0x2] =	wrdreg s2  }
0xb0: {  	[dreg:$0x3] =	wrdreg s24  }
0xb1: {  	[dreg:$0x4] =	wrdreg s18  }
0xb2: {  	[dreg:$0x5] =	wrdreg $0x9  }
0xb3: {  	_ =	task.clear_ibuf [dreg:s8], $0x6FFFF;
	_ =	strace $0x90000046  }
0xb4: {  	s29 =	simm.s32 $0x9;
	_ =	strace $0x80000048  }
0xb5: {  	_ =	swait.ge [sflag:s29], $0x1  }
0xb6: {  	[sflag:s29] =	ssyncadd.s32 $0xFFFFFFFF  }
0xb7: {  	_ =	strace $0x90000048  }
0xb8: {  	_ =	sfence  }
0xb9: {  	s30 =	sld [smem:$0x0];
	_ =	sdelay $0x2  }
0xba: {  	s31 =	sshll.u32 s1, $0xD;
	s1 =	sshrl.u32 s1, $0x2  }
0xbb: {  	s3 =	sand.u32 $0x4000, s31;
	s1 =	sadd.s32 s1, s30  }
0xbc: {  	s0 =	sor.u32 s3, s0;
	s1 =	sshll.u32 s1, $0x11  }
0xbd: {  	s0 =	sor.u32 s1, s0  }
0xbe: {  	s0 =	sadd.s32 $0x8F2B, s0  }
0xbf: {  	[sflag:s0] =	ssyncadd.remote.s32 $0x1  }
0xc0: {  	_ =	sfence.sel $0xFFFF  }
0xc1: {  	[dreg:$0x0] =	wrdreg $0xFFFFFFFF;
	(pc) =	sbr.abs _section_cstart, $3  }
0xc2: {  	[dreg:$0x1] =	wrdreg $0xFFFFFFFF  }
0xc3: {  	_ =	task.clear_ibuf [dreg:s8], $0x2FFFF;
	_ =	strace $0x9FFFFFFF  }
0xc4: {  	(tm) =	ssettm $0x7FFFFFFF  }
0xc5: {  	_ =	shalt  }
tec
execute0_lowered:
.L_overlay_start_1:
0x0: {  	(tag) =	ssettag $0x1  }
0x1: {  	s2 =	rddreg [dreg:$0x0]  }
0x2: {  	s0 =	rddreg [dreg:$0x1]  }
0x3: {  	s1 =	rddreg [dreg:$0x2]  }
0x4: {  	s9 =	stileid.u32;
	s4 =	srdreg.scid;
	s3 =	simm.s32 $0x0  }
0x5: {  	s19 =	simm.s32 $0x900;
	s21 =	simm.s32 $0x1100;
	s22 =	simm.s32 $0x1900  }
0x6: {  	s23 =	simm.s32 $0x2100;
	s24 =	simm.s32 $0x2900;
	s25 =	simm.s32 $0x3100  }
0x7: {  	s26 =	simm.s32 $0x3900;
	[smem:$0x7FF] =	sst s3;
	s7 =	sadd.s32 $0xB400, s0  }
0x8: {  	s31 =	simm.s32 $0x4100;
	_ =	strace $0x80000047;
	[dreg:$0x4] =	wrdreg s7  }
0x9: {  	s10 =	simm.s32 $0x5100;
	s11 =	simm.s32 $0x5900;
	[dreg:$0x6] =	wrdreg s19  }
0xa: {  	s12 =	simm.s32 $0x6100;
	s28 =	simm.s32 $0x1;
	[dreg:$0x7] =	wrdreg s21  }
0xb: {  	s29 =	simm.s32 $0x2;
	s13 =	smul.u32 $0x1900, s9;
	[dreg:$0x8] =	wrdreg s22  }
0xc: {  	s30 =	simm.s32 $0x0;
	s8 =	smul.u32 $0x32000, s9;
	[dreg:$0x9] =	wrdreg s23  }
0xd: {  	s5 =	sand.u32 $0x1, s4;
	s14 =	smul.u32 $0x19000, s9;
	[dreg:$0xa] =	wrdreg s24  }
0xe: {  	s9 =	simm.s32 $0x4900;
	s6 =	smul.u32 $0xC80, s5;
	[dreg:$0xb] =	wrdreg s25  }
0xf: {  	s16 =	ssub.s32 $0x2, s5;
	s20 =	smul.u32 $0xC800, s5;
	[dreg:$0xc] =	wrdreg s26  }
0x10: {  	s5 =	smul.u32 $0x19000, s5;
	s7 =	simm.s32 $0x3;
	[dreg:$0xd] =	wrdreg s31  }
0x11: {  	s19 =	simm.s32 $0x9900;
	s21 =	simm.s32 $0xA900;
	s22 =	simm.s32 $0xB100  }
0x12: {  	s23 =	simm.s32 $0xB900;
	s24 =	simm.s32 $0xC100;
	s25 =	simm.s32 $0xC8  }
0x13: {  	s26 =	simm.s32 $0xC900;
	s15 =	sadd.s32 s8, s0;
	s0 =	sadd.s32 s14, s0  }
0x14: {  	s17 =	sshrl.u32 s16, $0x1;
	s8 =	simm.s32 $0x100;
	s14 =	simm.s32 $0x7100  }
0x15: {  	s4 =	sadd.s32 s6, s13;
	s18 =	ssub.s32 s16, s17;
	s0 =	sadd.s32 s20, s0  }
0x16: {  	s5 =	sadd.s32 s5, s15;
	s13 =	simm.s32 $0x6900;
	s15 =	simm.s32 $0x7900  }
0x17: {  	s16 =	simm.s32 $0x8100;
	s4 =	sshrl.u32 s4, $0x3;
	s0 =	sadd.s32 $0x333400, s0  }
0x18: {  	v2 =	vlaneseq.u32;
	s17 =	simm.s32 $0x8900;
	s1 =	sadd.s32 s4, s1;
	[dreg:$0xf] =	wrdreg s0  }
0x19: {  	vm0 =	vmmov $0xffff;
	v1 =	vshrl.u32 v2, $0x3;
	s20 =	simm.s32 $0xA100;
	s4 =	smax.u32 s18, $0x1;
	[dreg:$0x5] =	wrdreg s1  }
0x1a: {  	v0 =	vand.u32 $0x7, v2;
	v2 =	vor.u32 $0x8, v2;
	v1 =	vmul.u32 $0x8, v1;
	s6 =	sadd.s32 $0x13400, s5;
	s18 =	simm.s32 $0x9100;
	[dreg:$0xe] =	wrdreg s4  }
.LBB2_1:
0x1b: {  	s31 =	smov.u32 s6;
	s5 =	rddreg [dreg:$0xf];
	s1 =	simm.s32 $0x0  }
.LBB2_2:
0x1c: {  	s4 =	rddreg [dreg:$0x5]  }
0x1d: {  	s4 =	sadd.s32 s1, s4  }
0x1e: {  	[tilespmem:s3], [sflag:$0x3] =	stream.linear.gather [hbm4b:s4+s3], $0xC8, $0x38;
	[tilespmem:$0x12D00] =	vst v63  }
0x1f: {  	_ =	swait.ge [sflag:s7], $0xC8  }
0x20: {  	[sflag:s7] =	ssyncset.done $0x0  }
0x21: {  	[sflag:s7] =	ssyncadd.s32 $0xFFFFFF38  }
0x22: {  	v3 =	vld [tilespmem:$0x0];
	_ =	sdelay $0x4  }
0x23: {  	v4 =	vshll.u32 v3, $0x1  }
0x24: {  	v3 =	vand.u32 $0x7, v3;
	v4 =	vand.u32 $0xFFFFFFF0, v4  }
0x25: {  	v3 =	vor.u32 v3, v4  }
0x26: {  	v4 =	vperm.xlane v3, v0;
	_ =	sdelay $0x1  }
0x27: {  	v3 =	vperm.xlane v3, v2;
	v4 =	vadd.s32 v1, v4;
	_ =	sdelay $0x1  }
0x28: {  	v3 =	vadd.s32 v1, v3;
	_ =	sdelay $0x2  }
0x29: {  	[tilespmem:s8], [sflag:$0x1] =	stream.indirect_vreg.gather [hbm4b:s2+s3], $0x80, v4, vm0, $0xb8;
	[tilespmem:$0x12D00] =	vst v63  }
0x2a: {  	s0 =	rddreg [dreg:$0x6]  }
0x2b: {  	[tilespmem:s0], [sflag:$0x1] =	stream.indirect_vreg.gather [hbm4b:s2+s3], $0x80, v3, vm0, $0xb8;
	[tilespmem:$0x12D00] =	vst v63  }
0x2c: {  	v3 =	vld [tilespmem:$0x10];
	_ =	sdelay $0x4  }
0x2d: {  	v52 =	vshll.u32 v3, $0x1  }
0x2e: {  	v3 =	vand.u32 $0x7, v3;
	v4 =	vand.u32 $0xFFFFFFF0, v52  }
0x2f: {  	v3 =	vor.u32 v3, v4  }
0x30: {  	v4 =	vperm.xlane v3, v0;
	_ =	sdelay $0x1  }
0x31: {  	v3 =	vperm.xlane v3, v2;
	v4 =	vadd.s32 v1, v4;
	_ =	sdelay $0x1  }
0x32: {  	v3 =	vadd.s32 v1, v3;
	_ =	sdelay $0x1  }
0x33: {  	s4 =	rddreg [dreg:$0x7]  }
0x34: {  	[tilespmem:s4], [sflag:$0x1] =	stream.indirect_vreg.gather [hbm4b:s2+s3], $0x80, v4, vm0, $0xb8;
	[tilespmem:$0x12D00] =	vst v63  }
0x35: {  	s0 =	rddreg [dreg:$0x8]  }
0x36: {  	[tilespmem:s0], [sflag:$0x1] =	stream.indirect_vreg.gather [hbm4b:s2+s3], $0x80, v3, vm0, $0xb8;
	[tilespmem:$0x12D00] =	vst v63  }
0x37: {  	v3 =	vld [tilespmem:$0x20];
	_ =	sdelay $0x4  }
0x38: {  	v53 =	vshll.u32 v3, $0x1  }
0x39: {  	v3 =	vand.u32 $0x7, v3;
	v4 =	vand.u32 $0xFFFFFFF0, v53  }
0x3a: {  	v3 =	vor.u32 v3, v4  }
0x3b: {  	v4 =	vperm.xlane v3, v0;
	_ =	sdelay $0x1  }
0x3c: {  	v3 =	vperm.xlane v3, v2;
	v4 =	vadd.s32 v1, v4;
	_ =	sdelay $0x1  }
0x3d: {  	v3 =	vadd.s32 v1, v3;
	_ =	sdelay $0x1  }
0x3e: {  	s0 =	rddreg [dreg:$0x9]  }
0x3f: {  	[tilespmem:s0], [sflag:$0x1] =	stream.indirect_vreg.gather [hbm4b:s2+s3], $0x80, v4, vm0, $0xb8;
	[tilespmem:$0x12D00] =	vst v63  }
0x40: {  	s4 =	rddreg [dreg:$0xa]  }
0x41: {  	[tilespmem:s4], [sflag:$0x1] =	stream.indirect_vreg.gather [hbm4b:s2+s3], $0x80, v3, vm0, $0xb8;
	[tilespmem:$0x12D00] =	vst v63  }
0x42: {  	v3 =	vld [tilespmem:$0x30];
	_ =	sdelay $0x4  }
0x43: {  	v54 =	vshll.u32 v3, $0x1  }
0x44: {  	v3 =	vand.u32 $0x7, v3;
	v4 =	vand.u32 $0xFFFFFFF0, v54  }
0x45: {  	v3 =	vor.u32 v3, v4  }
0x46: {  	v4 =	vperm.xlane v3, v0;
	_ =	sdelay $0x1  }
0x47: {  	v3 =	vperm.xlane v3, v2;
	v4 =	vadd.s32 v1, v4;
	_ =	sdelay $0x1  }
0x48: {  	v3 =	vadd.s32 v1, v3;
	_ =	sdelay $0x1  }
0x49: {  	s0 =	rddreg [dreg:$0xb]  }
0x4a: {  	[tilespmem:s0], [sflag:$0x1] =	stream.indirect_vreg.gather [hbm4b:s2+s3], $0x80, v4, vm0, $0xb8;
	[tilespmem:$0x12D00] =	vst v63  }
0x4b: {  	s4 =	rddreg [dreg:$0xc]  }
0x4c: {  	[tilespmem:s4], [sflag:$0x1] =	stream.indirect_vreg.gather [hbm4b:s2+s3], $0x80, v3, vm0, $0xb8;
	[tilespmem:$0x12D00] =	vst v63  }
0x4d: {  	v3 =	vld [tilespmem:$0x40];
	_ =	sdelay $0x4  }
0x4e: {  	v55 =	vshll.u32 v3, $0x1  }
0x4f: {  	v3 =	vand.u32 $0x7, v3;
	v4 =	vand.u32 $0xFFFFFFF0, v55  }
0x50: {  	v3 =	vor.u32 v3, v4  }
0x51: {  	v4 =	vperm.xlane v3, v0;
	_ =	sdelay $0x1  }
0x52: {  	v3 =	vperm.xlane v3, v2;
	v4 =	vadd.s32 v1, v4;
	_ =	sdelay $0x1  }
0x53: {  	v3 =	vadd.s32 v1, v3;
	_ =	sdelay $0x1  }
0x54: {  	s4 =	rddreg [dreg:$0xd]  }
0x55: {  	[tilespmem:s4], [sflag:$0x1] =	stream.indirect_vreg.gather [hbm4b:s2+s3], $0x80, v4, vm0, $0xb8;
	[tilespmem:$0x12D00] =	vst v63  }
0x56: {  	_ = 	snop  }
0x57: {  	[tilespmem:s9], [sflag:$0x1] =	stream.indirect_vreg.gather [hbm4b:s2+s3], $0x80, v3, vm0, $0xb8;
	[tilespmem:$0x12D00] =	vst v63  }
0x58: {  	v3 =	vld [tilespmem:$0x50];
	_ =	sdelay $0x4  }
0x59: {  	v56 =	vshll.u32 v3, $0x1  }
0x5a: {  	v3 =	vand.u32 $0x7, v3;
	v4 =	vand.u32 $0xFFFFFFF0, v56  }
0x5b: {  	v3 =	vor.u32 v3, v4  }
0x5c: {  	v4 =	vperm.xlane v3, v0;
	_ =	sdelay $0x1  }
0x5d: {  	v3 =	vperm.xlane v3, v2;
	v4 =	vadd.s32 v1, v4;
	_ =	sdelay $0x1  }
0x5e: {  	v3 =	vadd.s32 v1, v3;
	_ =	sdelay $0x2  }
0x5f: {  	[tilespmem:s10], [sflag:$0x1] =	stream.indirect_vreg.gather [hbm4b:s2+s3], $0x80, v4, vm0, $0xb8;
	[tilespmem:$0x12D00] =	vst v63  }
0x60: {  	_ = 	snop  }
0x61: {  	[tilespmem:s11], [sflag:$0x1] =	stream.indirect_vreg.gather [hbm4b:s2+s3], $0x80, v3, vm0, $0xb8;
	[tilespmem:$0x12D00] =	vst v63  }
0x62: {  	v3 =	vld [tilespmem:$0x60];
	_ =	sdelay $0x4  }
0x63: {  	v57 =	vshll.u32 v3, $0x1  }
0x64: {  	v3 =	vand.u32 $0x7, v3;
	v4 =	vand.u32 $0xFFFFFFF0, v57  }
0x65: {  	v3 =	vor.u32 v3, v4  }
0x66: {  	v4 =	vperm.xlane v3, v0;
	_ =	sdelay $0x1  }
0x67: {  	v3 =	vperm.xlane v3, v2;
	v4 =	vadd.s32 v1, v4;
	_ =	sdelay $0x1  }
0x68: {  	v3 =	vadd.s32 v1, v3;
	_ =	sdelay $0x2  }
0x69: {  	[tilespmem:s12], [sflag:$0x1] =	stream.indirect_vreg.gather [hbm4b:s2+s3], $0x80, v4, vm0, $0xb8;
	[tilespmem:$0x12D00] =	vst v63  }
0x6a: {  	_ = 	snop  }
0x6b: {  	[tilespmem:s13], [sflag:$0x1] =	stream.indirect_vreg.gather [hbm4b:s2+s3], $0x80, v3, vm0, $0xb8;
	[tilespmem:$0x12D00] =	vst v63  }
0x6c: {  	v3 =	vld [tilespmem:$0x70];
	_ =	sdelay $0x4  }
0x6d: {  	v58 =	vshll.u32 v3, $0x1  }
0x6e: {  	v3 =	vand.u32 $0x7, v3;
	v4 =	vand.u32 $0xFFFFFFF0, v58  }
0x6f: {  	v3 =	vor.u32 v3, v4  }
0x70: {  	v4 =	vperm.xlane v3, v0;
	_ =	sdelay $0x1  }
0x71: {  	v3 =	vperm.xlane v3, v2;
	v4 =	vadd.s32 v1, v4;
	_ =	sdelay $0x1  }
0x72: {  	v3 =	vadd.s32 v1, v3;
	_ =	sdelay $0x2  }
0x73: {  	[tilespmem:s14], [sflag:$0x1] =	stream.indirect_vreg.gather [hbm4b:s2+s3], $0x80, v4, vm0, $0xb8;
	[tilespmem:$0x12D00] =	vst v63  }
0x74: {  	_ = 	snop  }
0x75: {  	[tilespmem:s15], [sflag:$0x1] =	stream.indirect_vreg.gather [hbm4b:s2+s3], $0x80, v3, vm0, $0xb8;
	[tilespmem:$0x12D00] =	vst v63  }
0x76: {  	v3 =	vld [tilespmem:$0x80];
	_ =	sdelay $0x4  }
0x77: {  	v59 =	vshll.u32 v3, $0x1  }
0x78: {  	v3 =	vand.u32 $0x7, v3;
	v4 =	vand.u32 $0xFFFFFFF0, v59  }
0x79: {  	v3 =	vor.u32 v3, v4  }
0x7a: {  	v4 =	vperm.xlane v3, v0;
	_ =	sdelay $0x1  }
0x7b: {  	v3 =	vperm.xlane v3, v2;
	v4 =	vadd.s32 v1, v4;
	_ =	sdelay $0x1  }
0x7c: {  	v3 =	vadd.s32 v1, v3;
	_ =	sdelay $0x2  }
0x7d: {  	[tilespmem:s16], [sflag:$0x1] =	stream.indirect_vreg.gather [hbm4b:s2+s3], $0x80, v4, vm0, $0xb8;
	[tilespmem:$0x12D00] =	vst v63  }
0x7e: {  	_ = 	snop  }
0x7f: {  	[tilespmem:s17], [sflag:$0x1] =	stream.indirect_vreg.gather [hbm4b:s2+s3], $0x80, v3, vm0, $0xb8;
	[tilespmem:$0x12D00] =	vst v63  }
0x80: {  	v3 =	vld [tilespmem:$0x90];
	_ =	sdelay $0x4  }
0x81: {  	v60 =	vshll.u32 v3, $0x1  }
0x82: {  	v3 =	vand.u32 $0x7, v3;
	v4 =	vand.u32 $0xFFFFFFF0, v60  }
0x83: {  	v3 =	vor.u32 v3, v4  }
0x84: {  	v4 =	vperm.xlane v3, v0;
	_ =	sdelay $0x1  }
0x85: {  	v3 =	vperm.xlane v3, v2;
	v4 =	vadd.s32 v1, v4;
	_ =	sdelay $0x1  }
0x86: {  	v3 =	vadd.s32 v1, v3;
	_ =	sdelay $0x2  }
0x87: {  	[tilespmem:s18], [sflag:$0x1] =	stream.indirect_vreg.gather [hbm4b:s2+s3], $0x80, v4, vm0, $0xb8;
	[tilespmem:$0x12D00] =	vst v63  }
0x88: {  	_ = 	snop  }
0x89: {  	[tilespmem:s19], [sflag:$0x1] =	stream.indirect_vreg.gather [hbm4b:s2+s3], $0x80, v3, vm0, $0xb8;
	[tilespmem:$0x12D00] =	vst v63  }
0x8a: {  	v3 =	vld [tilespmem:$0xA0];
	_ =	sdelay $0x4  }
0x8b: {  	v61 =	vshll.u32 v3, $0x1  }
0x8c: {  	v3 =	vand.u32 $0x7, v3;
	v4 =	vand.u32 $0xFFFFFFF0, v61  }
0x8d: {  	v3 =	vor.u32 v3, v4  }
0x8e: {  	v4 =	vperm.xlane v3, v0;
	_ =	sdelay $0x1  }
0x8f: {  	v3 =	vperm.xlane v3, v2;
	v4 =	vadd.s32 v1, v4;
	_ =	sdelay $0x1  }
0x90: {  	v3 =	vadd.s32 v1, v3;
	_ =	sdelay $0x2  }
0x91: {  	[tilespmem:s20], [sflag:$0x1] =	stream.indirect_vreg.gather [hbm4b:s2+s3], $0x80, v4, vm0, $0xb8;
	[tilespmem:$0x12D00] =	vst v63  }
0x92: {  	_ = 	snop  }
0x93: {  	[tilespmem:s21], [sflag:$0x1] =	stream.indirect_vreg.gather [hbm4b:s2+s3], $0x80, v3, vm0, $0xb8;
	[tilespmem:$0x12D00] =	vst v63  }
0x94: {  	v3 =	vld [tilespmem:$0xB0];
	_ =	sdelay $0x4  }
0x95: {  	v62 =	vshll.u32 v3, $0x1  }
0x96: {  	v3 =	vand.u32 $0x7, v3;
	v4 =	vand.u32 $0xFFFFFFF0, v62  }
0x97: {  	v3 =	vor.u32 v3, v4  }
0x98: {  	v4 =	vperm.xlane v3, v0;
	_ =	sdelay $0x1  }
0x99: {  	v3 =	vperm.xlane v3, v2;
	v4 =	vadd.s32 v1, v4;
	_ =	sdelay $0x1  }
0x9a: {  	v3 =	vadd.s32 v1, v3;
	_ =	sdelay $0x2  }
0x9b: {  	[tilespmem:s22], [sflag:$0x1] =	stream.indirect_vreg.gather [hbm4b:s2+s3], $0x80, v4, vm0, $0xb8;
	[tilespmem:$0x12D00] =	vst v63  }
0x9c: {  	_ = 	snop  }
0x9d: {  	[tilespmem:s23], [sflag:$0x1] =	stream.indirect_vreg.gather [hbm4b:s2+s3], $0x80, v3, vm0, $0xb8;
	[tilespmem:$0x12D00] =	vst v63  }
0x9e: {  	v3 =	vld.msk [tilespmem:$0xC0], $0xff;
	_ =	sdelay $0x4  }
0x9f: {  	v63 =	vshll.u32 v3, $0x1  }
0xa0: {  	v3 =	vand.u32 $0x7, v3;
	v4 =	vand.u32 $0xFFFFFFF0, v63  }
0xa1: {  	v3 =	vor.u32 v3, v4  }
0xa2: {  	v3 =	vperm.xlane v3, v0;
	_ =	sdelay $0x1  }
0xa3: {  	v3 =	vadd.s32 v1, v3;
	_ =	sdelay $0x4  }
0xa4: {  	[tilespmem:s24], [sflag:$0x1] =	stream.indirect_vreg.gather [hbm4b:s2+s3], $0x80, v3, vm0, $0xb8;
	[tilespmem:$0x12D00] =	vst v63  }
0xa5: {  	s4 =	rddreg [dreg:$0x4]  }
0xa6: {  	[tilespmem:s26], [sflag:$0x2] =	stream.indirect.gather [hbm4b:s4+s25], $0x80, s3, s25, $0xb8;
	[tilespmem:$0x12D00] =	vst v63  }
0xa7: {  	_ =	swait.ge [sflag:s28], $0xC800  }
0xa8: {  	[sflag:s28] =	ssyncset.done $0x0  }
0xa9: {  	[sflag:s28] =	ssyncadd.s32 $0xFFFF3800  }
0xaa: {  	[hbm4b:s31+s3] =	stream.linear.scatter [tilespmem:s8], [sflag:$0x3], $0xC800, $0x38;
	[tilespmem:$0x12D00] =	vst v63  }
0xab: {  	_ =	swait.ge [sflag:s7], $0xC800  }
0xac: {  	[sflag:s7] =	ssyncset.done $0x0  }
0xad: {  	[sflag:s7] =	ssyncadd.s32 $0xFFFF3800  }
0xae: {  	_ =	swait.ge [sflag:s29], $0x6400  }
0xaf: {  	p0 =	sne.s32 s1, $0x177;
	[sflag:s29] =	ssyncset.done $0x0  }
.Ltmp0:
0xb0: {  	[sflag:s29] =	ssyncadd.s32 $0xFFFF9C00;
	(pc) =	sbr.rel @p0 .LBB2_2-.Ltmp0, $4  }
0xb1: {  	[hbm4b:s5+s3] =	stream.linear.scatter [tilespmem:s26], [sflag:$0x3], $0x6400, $0x38;
	[tilespmem:$0x12D00] =	vst v63  }
0xb2: {  	_ =	swait.ge [sflag:s7], $0x6400  }
0xb3: {  	s1 =	sadd.s32 $0x19, s1;
	[sflag:s7] =	ssyncset.done $0x0  }
0xb4: {  	s31 =	sadd.s32 $0x1900, s31;
	s5 =	sadd.s32 $0xC80, s5;
	[sflag:s7] =	ssyncadd.s32 $0xFFFF9C00  }
0xb5: {  	s30 =	sadd.s32 $0x1, s30;
	s0 =	rddreg [dreg:$0xe]  }
0xb6: {  	p0 =	sne.s32 s30, s0  }
.Ltmp1:
0xb7: {  	_ = 	snop;
	(pc) =	sbr.rel @p0 .LBB2_1-.Ltmp1, $1  }
0xb8: {  	_ =	sdelay $0x3  }
0xb9: {  	_ =	sfence.sel $0x180000  }
0xba: {  	[bflag:$0x0] =	sbarrier.arrive $0xFFFF  }
0xbb: {  	_ =	strace $0x90000047  }
0xbc: {  	s0 =	stileid.u32;
	[bflag:$0x2] =	sbarrier.arrive $0xFFFF  }
0xbd: {  	p0 =	sne.s32 s0, $0x0;
	s0 =	rddreg [dreg:$0x3]  }
0xbe: {  	s0 =	sadd.s32 @!p0 $0x100000, s0  }
0xbf: {  	[sflag:s0] =	ssyncadd.tile.s32 @!p0 $0x1;
	_ =	shalt  }
.Lfunc_end2:
_tile_overlayer_lowered:
.L_overlay_start_2:
0xc0: {  	(tag) =	ssettag $0x2  }
0xc1: {  	s0 =	rddreg [dreg:$0x0];
	s2 =	stileid.u32  }
0xc2: {  	s1 =	rddreg [dreg:$0x1];
	p0 =	sne.s32 s2, $0x0  }
0xc3: {  	s3 =	rddreg [dreg:$0x2];
	[bflag:$0x3] =	sbarrier.arrive $0xFFFF;
	s2 =	simm.s32 @!p0 $0x1C03  }
0xc4: {  	[timem:s3], [sflag:s2] =	dma.local @!p0 [hbm:s0], s1  }
0xc5: {  	s0 =	simm.s32 @!p0 $0x3  }
0xc6: {  	_ =	swait.ge @!p0 [sflag:s0], s1  }
0xc7: {  	s1 =	ssub.s32 @!p0 $0x0, s1;
	[sflag:s0] =	ssyncset.done @!p0 $0x0  }
0xc8: {  	[sflag:s0] =	ssyncadd.s32 @!p0 s1  }
0xc9: {  	[bflag:$0x3] =	sbarrier.arrive $0xFFFF  }
0xca: {  	_ =	shalt  }

</sc_bundles>
